<compile_context>
chip_gen: v7x
topology: tpu7x:2x2x1
jax: 0.10.2.dev20260603
libtpu: 0.0.44.dev20260713+nightly
codegen_flags: <defaults>
</compile_context>

<pallas_src>
import jax
import jax.numpy as jnp
from jax import lax
from jax.experimental import pallas as pl
from jax.experimental.pallas import tpu as pltpu, tpu_sc as plsc

N_DST = 10000
N_SRC = 10000
IN_DIM = 128
OUT_DIM = 128
E0 = 160000
E1 = 160000

NC = 2
NS = 16
NW = NC * NS

CH = 128
CPT = 80
H_CPT = CPT // 2
H_NPAIR = H_CPT // 2
NCH = NW * CPT
E_PAD = NCH * CH
NPAD = 10112
NDUMMY = NPAD - N_DST
RPT = NPAD // NS

ROW_BLOCK = 5000


def _proj_body(x0_ref, x1_ref, coeffs_ref, V_ref, h_ref):
    V0 = V_ref[0]
    V1 = V_ref[1]
    W0 = coeffs_ref[0, 0] * V0 + coeffs_ref[0, 1] * V1
    W1 = coeffs_ref[1, 0] * V0 + coeffs_ref[1, 1] * V1
    h_ref[0] = jnp.dot(x0_ref[...], W0, preferred_element_type=jnp.float32)
    h_ref[1] = jnp.dot(x1_ref[...], W1, preferred_element_type=jnp.float32)


def _final_body(acc_ref, xd_ref, Wself_ref, bias_ref, out_ref):
    out_ref[...] = (
        acc_ref[0]
        + acc_ref[1]
        + jnp.dot(xd_ref[...], Wself_ref[...], preferred_element_type=jnp.float32)
        + bias_ref[...]
    )


def _sc_agg_body(h_hbm, sidx_hbm, didx_hbm, out_hbm,
                 acc, sidx_v, didx_v, rows0, rows1, sem0, sem1):
    c = lax.axis_index("c")
    s = lax.axis_index("s")

    wid = s * NC + c

    zv = jnp.zeros((16,), jnp.float32)

    def zbody(i, carry):
        for k in range(OUT_DIM // 16):
            rows0[i, pl.ds(16 * k, 16)] = zv
        return carry

    lax.fori_loop(0, CH, zbody, 0)
    for k in range(RPT // CH):
        pltpu.sync_copy(rows0, acc.at[pl.ds(s * RPT + k * CH, CH)])
    rem = RPT % CH
    if rem:
        pltpu.sync_copy(rows0.at[pl.ds(0, rem)],
                        acc.at[pl.ds(s * RPT + (RPT // CH) * CH, rem)])
    pltpu.sync_copy(sidx_hbm.at[pl.ds(wid * CPT, H_CPT)], sidx_v)
    pltpu.sync_copy(didx_hbm.at[pl.ds(wid * CPT, H_CPT)], didx_v)
    plsc.subcore_barrier()

    for half in range(2):
        if half:
            base = wid * CPT + H_CPT
            pltpu.sync_copy(sidx_hbm.at[pl.ds(base, H_CPT)], sidx_v)
            pltpu.sync_copy(didx_hbm.at[pl.ds(base, H_CPT)], didx_v)
        pltpu.async_copy(h_hbm.at[sidx_v.at[0]], rows0, sem0)

        def body(i, carry):
            j0 = 2 * i
            j1 = j0 + 1
            pltpu.async_copy(h_hbm.at[sidx_v.at[j1]], rows1, sem1)
            pltpu.make_async_copy(h_hbm.at[sidx_v.at[j0]], rows0, sem0).wait()
            pltpu.sync_copy(rows0, acc.at[didx_v.at[j0]], add=True)

            @pl.when(i + 1 < H_NPAIR)
            def _():
                pltpu.async_copy(h_hbm.at[sidx_v.at[j0 + 2]], rows0, sem0)

            pltpu.make_async_copy(h_hbm.at[sidx_v.at[j1]], rows1, sem1).wait()
            pltpu.sync_copy(rows1, acc.at[didx_v.at[j1]], add=True)
            return carry

        lax.fori_loop(0, H_NPAIR, body, 0)
    plsc.subcore_barrier()

    pltpu.sync_copy(acc.at[pl.ds(s * RPT, RPT)],
                    out_hbm.at[pl.ds(c * NPAD + s * RPT, RPT)])


def _make_sc_agg():
    mesh = plsc.VectorSubcoreMesh(core_axis_name="c", subcore_axis_name="s",
                                  num_cores=NC, num_subcores=NS)
    return pl.kernel(
        _sc_agg_body,
        out_type=jax.ShapeDtypeStruct((NC * NPAD, OUT_DIM), jnp.float32),
        mesh=mesh,
        scratch_types=[
            pltpu.VMEM_SHARED((NPAD, OUT_DIM), jnp.float32),
            pltpu.VMEM((H_CPT, CH), jnp.int32),
            pltpu.VMEM((H_CPT, CH), jnp.int32),
            pltpu.VMEM((CH, OUT_DIM), jnp.float32),
            pltpu.VMEM((CH, OUT_DIM), jnp.float32),
            pltpu.SemaphoreType.DMA,
            pltpu.SemaphoreType.DMA,
        ],
    )


def kernel(dst_feat, src_feat_0, src_feat_1, edges0_src, edges0_dst,
           edges1_src, edges1_dst, V, coeffs, W_self, bias):
    n_grid = N_SRC // ROW_BLOCK

    h = pl.pallas_call(
        _proj_body,
        grid=(n_grid,),
        in_specs=[
            pl.BlockSpec((ROW_BLOCK, IN_DIM), lambda i: (i, 0)),
            pl.BlockSpec((ROW_BLOCK, IN_DIM), lambda i: (i, 0)),
            pl.BlockSpec(memory_space=pltpu.SMEM),
            pl.BlockSpec((2, IN_DIM, OUT_DIM), lambda i: (0, 0, 0)),
        ],
        out_specs=pl.BlockSpec((2, ROW_BLOCK, OUT_DIM), lambda i: (0, i, 0)),
        out_shape=jax.ShapeDtypeStruct((2, N_SRC, OUT_DIM), jnp.float32),
    )(src_feat_0, src_feat_1, coeffs, V)
    h_flat = h.reshape(2 * N_SRC, OUT_DIM)

    n_pad = E_PAD - (E0 + E1)
    pad_iota = jnp.arange(n_pad, dtype=jnp.int32)
    src_all = jnp.concatenate([
        edges0_src, edges1_src + N_SRC,
        pad_iota % (2 * N_SRC),
    ]).reshape(NCH, CH)
    dst_all = jnp.concatenate([
        edges0_dst, edges1_dst,
        N_DST + pad_iota % NDUMMY,
    ]).reshape(NCH, CH)

    acc_flat = _make_sc_agg()(h_flat, src_all, dst_all)
    acc = acc_flat.reshape(NC, NPAD, OUT_DIM)

    bias_2d = bias.reshape(1, OUT_DIM)
    dst_z = pl.pallas_call(
        _final_body,
        grid=(N_DST // ROW_BLOCK,),
        in_specs=[
            pl.BlockSpec((2, ROW_BLOCK, OUT_DIM), lambda i: (0, i, 0)),
            pl.BlockSpec((ROW_BLOCK, IN_DIM), lambda i: (i, 0)),
            pl.BlockSpec((IN_DIM, OUT_DIM), lambda i: (0, 0)),
            pl.BlockSpec((1, OUT_DIM), lambda i: (0, 0)),
        ],
        out_specs=pl.BlockSpec((ROW_BLOCK, OUT_DIM), lambda i: (i, 0)),
        out_shape=jax.ShapeDtypeStruct((N_DST, OUT_DIM), jnp.float32),
    )(acc, dst_feat, W_self, bias_2d)

    att_sc = jnp.ones((2,), dtype=jnp.float32)
    return (dst_z, att_sc)

# --- scband reference (transcript-rebuilt; emitter-appended) ---
"""Pipeline reference for scband-aggregate-module-21526376087641 (READ-ONLY COPY).

The authoritative reference and input builder live on the scoring server;
editing this copy changes nothing except your own understanding.
"""

import jax, jax.numpy as jnp
import numpy as np

N_DST = 10000
N_SRC0 = 10000
N_SRC1 = 10000
E0 = 160000
E1 = 160000
IN_DIM = 128
OUT_DIM = 128
NUM_RELS = 2
NUM_BASES = 2


def setup_inputs(seed: int = 0) -> dict:
    key = jax.random.key(seed)
    ks = jax.random.split(key, 12)
    dst_feat = jax.random.normal(ks[0], (N_DST, IN_DIM), dtype=jnp.float32)
    src_feat_0 = jax.random.normal(ks[1], (N_SRC0, IN_DIM), dtype=jnp.float32)
    src_feat_1 = jax.random.normal(ks[2], (N_SRC1, IN_DIM), dtype=jnp.float32)
    edges0_src = jax.random.randint(ks[3], (E0,), 0, N_SRC0, dtype=jnp.int32)
    edges0_dst = jax.random.randint(ks[4], (E0,), 0, N_DST, dtype=jnp.int32)
    edges1_src = jax.random.randint(ks[5], (E1,), 0, N_SRC1, dtype=jnp.int32)
    edges1_dst = jax.random.randint(ks[6], (E1,), 0, N_DST, dtype=jnp.int32)
    # RelGraphConv parameters (basis regularizer, num_bases=2)
    scale = 1.0 / np.sqrt(IN_DIM)
    V = jax.random.normal(ks[7], (NUM_BASES, IN_DIM, OUT_DIM), dtype=jnp.float32) * scale
    coeffs = jax.random.normal(ks[8], (NUM_RELS, NUM_BASES), dtype=jnp.float32)
    W_self = jax.random.normal(ks[9], (IN_DIM, OUT_DIM), dtype=jnp.float32) * scale
    bias = jnp.zeros((OUT_DIM,), dtype=jnp.float32)
    return {
        "dst_feat": dst_feat,
        "src_feat_0": src_feat_0,
        "src_feat_1": src_feat_1,
        "edges0_src": edges0_src,
        "edges0_dst": edges0_dst,
        "edges1_src": edges1_src,
        "edges1_dst": edges1_dst,
        "V": V,
        "coeffs": coeffs,
        "W_self": W_self,
        "bias": bias,
    }


def reference(dst_feat, src_feat_0, src_feat_1, edges0_src, edges0_dst, edges1_src, edges1_dst, V, coeffs, W_self, bias):
    # Build the combined homogeneous graph: dst nodes first (indices [0, N_DST)),
    # then relation-0 src nodes, then relation-1 src nodes. Src indices are shifted
    # exactly like the original shift_index logic (unused src nodes are isolated and
    # do not affect dst outputs since only z[:num_dst] is returned).
    feats = jnp.concatenate([dst_feat, src_feat_0, src_feat_1], axis=0)
    n_total = feats.shape[0]
    src = jnp.concatenate([edges0_src + N_DST, edges1_src + N_DST + N_SRC0], axis=0)
    dst = jnp.concatenate([edges0_dst, edges1_dst], axis=0)
    etype = jnp.concatenate([
        jnp.zeros((E0,), dtype=jnp.int32),
        jnp.ones((E1,), dtype=jnp.int32),
    ], axis=0)
    # RGCN with basis decomposition: W_r = sum_b coeffs[r, b] * V[b]
    # Compute per-basis node projections once, then gather per edge.
    hb = jnp.einsum('ni,bio->nbo', feats, V)          # [N, B, out]
    msg = jnp.einsum('eb,ebo->eo', coeffs[etype], hb[src])  # [E, out]
    agg = jax.ops.segment_sum(msg, dst, num_segments=n_total)
    out = agg + feats @ W_self + bias  # self-loop + bias (DGL RelGraphConv defaults)
    dst_z = out[:N_DST]
    att_sc = jnp.ones((NUM_RELS,), dtype=jnp.float32)
    return (dst_z, att_sc)

if __name__ == "__main__":
    import jax
    _d = setup_inputs()
    print(jax.jit(kernel)(*tuple(_d.values())))

</pallas_src>

<mosaic_0001>
#map = affine_map<(d0, d1) -> (0, 0)>
module attributes {stable_mosaic.version = 14 : i64} {
  func.func @_sc_agg_body(%arg0: i32, %arg1: i32, %arg2: memref<20000x128xf32, #tpu.memory_space<hbm>>, %arg3: memref<2560x128xi32, #tpu.memory_space<hbm>>, %arg4: memref<2560x128xi32, #tpu.memory_space<hbm>>, %arg5: memref<20224x128xf32, #tpu.memory_space<hbm>>, %arg6: memref<10112x128xf32, #tpu.memory_space<vmem_shared>>, %arg7: memref<40x128xi32, #tpu.memory_space<vmem>>, %arg8: memref<40x128xi32, #tpu.memory_space<vmem>>, %arg9: memref<128x128xf32, #tpu.memory_space<vmem>>, %arg10: memref<128x128xf32, #tpu.memory_space<vmem>>, %arg11: memref<!tpu.dma_semaphore, #tpu.memory_space<semaphore_mem>>, %arg12: memref<!tpu.dma_semaphore, #tpu.memory_space<semaphore_mem>>) attributes {dimension_semantics = [#tpu.dimension_semantics<core_parallel>, #tpu.dimension_semantics<subcore_parallel>], iteration_bounds = array<i64: 2, 16>, scalar_prefetch = 0 : i64, scratch_operands = 7 : i64, tpu.core_type = #tpu.core_type<sc_vector_subcore>, window_params = [{transform_indices = #map}, {transform_indices = #map}, {transform_indices = #map}, {transform_indices = #map}]} {
    %mul3A = arith.constant 2 : i32
    %mul3A_0 = arith.muli %arg1, %mul3A : i32
    %add3A = arith.addi %mul3A_0, %arg0 : i32
    %broadcast_in_dim3A = arith.constant 0.000000e+00 : f32
    %broadcast_in_dim3A_1 = vector.broadcast %broadcast_in_dim3A : f32 to vector<16xf32>
    %scan3A = arith.constant 0 : i32
    %scan3A_2 = arith.constant 0 : i32
    %scan3A_3 = arith.constant 128 : i32
    %scan3A_4 = arith.addi %scan3A_2, %scan3A_3 : i32
    %scan3A_5 = arith.constant 1 : i32
    scf.for %scan3A_68 = %scan3A_2 to %scan3A_4 step %scan3A_5  : i32 {
      %swap3A = arith.index_cast %scan3A_68 : i32 to index
      %swap3A_69 = arith.constant 0 : index
      %swap3A_70 = tpu.vector_load %arg9[%swap3A, %swap3A_69] {strides = array<i32>} : memref<128x128xf32, #tpu.memory_space<vmem>>, vector<1x16xf32>,
      %swap3A_71 = vector.shape_cast %swap3A_70 : vector<1x16xf32> to vector<16xf32>
      %swap3A_72 = vector.shape_cast %broadcast_in_dim3A_1 : vector<16xf32> to vector<1x16xf32>
      tpu.vector_store %arg9[%swap3A, %swap3A_69], %swap3A_72 {strides = array<i32>} : memref<128x128xf32, #tpu.memory_space<vmem>>, vector<1x16xf32>,
      %swap3A_73 = arith.index_cast %scan3A_68 : i32 to index
      %swap3A_74 = arith.constant 16 : index
      %swap3A_75 = tpu.vector_load %arg9[%swap3A_73, %swap3A_74] {strides = array<i32>} : memref<128x128xf32, #tpu.memory_space<vmem>>, vector<1x16xf32>,
      %swap3A_76 = vector.shape_cast %swap3A_75 : vector<1x16xf32> to vector<16xf32>
      %swap3A_77 = vector.shape_cast %broadcast_in_dim3A_1 : vector<16xf32> to vector<1x16xf32>
      tpu.vector_store %arg9[%swap3A_73, %swap3A_74], %swap3A_77 {strides = array<i32>} : memref<128x128xf32, #tpu.memory_space<vmem>>, vector<1x16xf32>,
      %swap3A_78 = arith.index_cast %scan3A_68 : i32 to index
      %swap3A_79 = arith.constant 32 : index
      %swap3A_80 = tpu.vector_load %arg9[%swap3A_78, %swap3A_79] {strides = array<i32>} : memref<128x128xf32, #tpu.memory_space<vmem>>, vector<1x16xf32>,
      %swap3A_81 = vector.shape_cast %swap3A_80 : vector<1x16xf32> to vector<16xf32>
      %swap3A_82 = vector.shape_cast %broadcast_in_dim3A_1 : vector<16xf32> to vector<1x16xf32>
      tpu.vector_store %arg9[%swap3A_78, %swap3A_79], %swap3A_82 {strides = array<i32>} : memref<128x128xf32, #tpu.memory_space<vmem>>, vector<1x16xf32>,
      %swap3A_83 = arith.index_cast %scan3A_68 : i32 to index
      %swap3A_84 = arith.constant 48 : index
      %swap3A_85 = tpu.vector_load %arg9[%swap3A_83, %swap3A_84] {strides = array<i32>} : memref<128x128xf32, #tpu.memory_space<vmem>>, vector<1x16xf32>,
      %swap3A_86 = vector.shape_cast %swap3A_85 : vector<1x16xf32> to vector<16xf32>
      %swap3A_87 = vector.shape_cast %broadcast_in_dim3A_1 : vector<16xf32> to vector<1x16xf32>
      tpu.vector_store %arg9[%swap3A_83, %swap3A_84], %swap3A_87 {strides = array<i32>} : memref<128x128xf32, #tpu.memory_space<vmem>>, vector<1x16xf32>,
      %swap3A_88 = arith.index_cast %scan3A_68 : i32 to index
      %swap3A_89 = arith.constant 64 : index
      %swap3A_90 = tpu.vector_load %arg9[%swap3A_88, %swap3A_89] {strides = array<i32>} : memref<128x128xf32, #tpu.memory_space<vmem>>, vector<1x16xf32>,
      %swap3A_91 = vector.shape_cast %swap3A_90 : vector<1x16xf32> to vector<16xf32>
      %swap3A_92 = vector.shape_cast %broadcast_in_dim3A_1 : vector<16xf32> to vector<1x16xf32>
      tpu.vector_store %arg9[%swap3A_88, %swap3A_89], %swap3A_92 {strides = array<i32>} : memref<128x128xf32, #tpu.memory_space<vmem>>, vector<1x16xf32>,
      %swap3A_93 = arith.index_cast %scan3A_68 : i32 to index
      %swap3A_94 = arith.constant 80 : index
      %swap3A_95 = tpu.vector_load %arg9[%swap3A_93, %swap3A_94] {strides = array<i32>} : memref<128x128xf32, #tpu.memory_space<vmem>>, vector<1x16xf32>,
      %swap3A_96 = vector.shape_cast %swap3A_95 : vector<1x16xf32> to vector<16xf32>
      %swap3A_97 = vector.shape_cast %broadcast_in_dim3A_1 : vector<16xf32> to vector<1x16xf32>
      tpu.vector_store %arg9[%swap3A_93, %swap3A_94], %swap3A_97 {strides = array<i32>} : memref<128x128xf32, #tpu.memory_space<vmem>>, vector<1x16xf32>,
      %swap3A_98 = arith.index_cast %scan3A_68 : i32 to index
      %swap3A_99 = arith.constant 96 : index
      %swap3A_100 = tpu.vector_load %arg9[%swap3A_98, %swap3A_99] {strides = array<i32>} : memref<128x128xf32, #tpu.memory_space<vmem>>, vector<1x16xf32>,
      %swap3A_101 = vector.shape_cast %swap3A_100 : vector<1x16xf32> to vector<16xf32>
      %swap3A_102 = vector.shape_cast %broadcast_in_dim3A_1 : vector<16xf32> to vector<1x16xf32>
      tpu.vector_store %arg9[%swap3A_98, %swap3A_99], %swap3A_102 {strides = array<i32>} : memref<128x128xf32, #tpu.memory_space<vmem>>, vector<1x16xf32>,
      %swap3A_103 = arith.index_cast %scan3A_68 : i32 to index
      %swap3A_104 = arith.constant 112 : index
      %swap3A_105 = tpu.vector_load %arg9[%swap3A_103, %swap3A_104] {strides = array<i32>} : memref<128x128xf32, #tpu.memory_space<vmem>>, vector<1x16xf32>,
      %swap3A_106 = vector.shape_cast %swap3A_105 : vector<1x16xf32> to vector<16xf32>
      %swap3A_107 = vector.shape_cast %broadcast_in_dim3A_1 : vector<16xf32> to vector<1x16xf32>
      tpu.vector_store %arg9[%swap3A_103, %swap3A_104], %swap3A_107 {strides = array<i32>} : memref<128x128xf32, #tpu.memory_space<vmem>>, vector<1x16xf32>,
    }
    %scan3A_6 = arith.constant 128 : i32
    %mul3A_7 = arith.constant 632 : i32
    %mul3A_8 = arith.muli %arg1, %mul3A_7 : i32
    %add3A_9 = arith.constant 0 : i32
    %add3A_10 = arith.addi %mul3A_8, %add3A_9 : i32
    "tpu.region"() ({
      %run_scoped3A = tpu.sem_alloc : memref<!tpu.dma_semaphore, #tpu.memory_space<semaphore_mem>>
      %dma_start3A_68 = arith.constant 0 : i32
      %dma_start3A_69 = tpu.memref_slice %arg6[%add3A_10, %dma_start3A_68] : memref<10112x128xf32, #tpu.memory_space<vmem_shared>> -> memref<128x128xf32, #tpu.memory_space<vmem_shared>>
      %dma_start3A_70 = arith.constant 0 : i32
      %dma_start3A_71 = tpu.memref_slice %arg6[%add3A_10, %dma_start3A_70] : memref<10112x128xf32, #tpu.memory_space<vmem_shared>> -> memref<128x128xf32, #tpu.memory_space<vmem_shared>>
      tpu.enqueue_dma source(%arg9 : memref<128x128xf32, #tpu.memory_space<vmem>>) target(%dma_start3A_71 : memref<128x128xf32, #tpu.memory_space<vmem_shared>>) target_semaphore(%run_scoped3A : memref<!tpu.dma_semaphore, #tpu.memory_space<semaphore_mem>>)
      %dma_wait3A = arith.constant 0 : i32
      %dma_wait3A_72 = tpu.memref_slice %arg6[%add3A_10, %dma_wait3A] : memref<10112x128xf32, #tpu.memory_space<vmem_shared>> -> memref<128x128xf32, #tpu.memory_space<vmem_shared>>
      %dma_wait3A_73 = arith.constant 0 : i32
      %dma_wait3A_74 = tpu.memref_slice %arg6[%add3A_10, %dma_wait3A_73] : memref<10112x128xf32, #tpu.memory_space<vmem_shared>> -> memref<128x128xf32, #tpu.memory_space<vmem_shared>>
      tpu.wait_dma2 semaphore(%run_scoped3A : memref<!tpu.dma_semaphore, #tpu.memory_space<semaphore_mem>>) src(%arg9 : memref<128x128xf32, #tpu.memory_space<vmem>>) dst(%dma_wait3A_74 : memref<128x128xf32, #tpu.memory_space<vmem_shared>>)
      tpu.yield
    }) : () -> ()
    %mul3A_11 = arith.constant 632 : i32
    %mul3A_12 = arith.muli %arg1, %mul3A_11 : i32
    %add3A_13 = arith.constant 128 : i32
    %add3A_14 = arith.addi %mul3A_12, %add3A_13 : i32
    "tpu.region"() ({
      %run_scoped3A = tpu.sem_alloc : memref<!tpu.dma_semaphore, #tpu.memory_space<semaphore_mem>>
      %dma_start3A_68 = arith.constant 0 : i32
      %dma_start3A_69 = tpu.memref_slice %arg6[%add3A_14, %dma_start3A_68] : memref<10112x128xf32, #tpu.memory_space<vmem_shared>> -> memref<128x128xf32, #tpu.memory_space<vmem_shared>>
      %dma_start3A_70 = arith.constant 0 : i32
      %dma_start3A_71 = tpu.memref_slice %arg6[%add3A_14, %dma_start3A_70] : memref<10112x128xf32, #tpu.memory_space<vmem_shared>> -> memref<128x128xf32, #tpu.memory_space<vmem_shared>>
      tpu.enqueue_dma source(%arg9 : memref<128x128xf32, #tpu.memory_space<vmem>>) target(%dma_start3A_71 : memref<128x128xf32, #tpu.memory_space<vmem_shared>>) target_semaphore(%run_scoped3A : memref<!tpu.dma_semaphore, #tpu.memory_space<semaphore_mem>>)
      %dma_wait3A = arith.constant 0 : i32
      %dma_wait3A_72 = tpu.memref_slice %arg6[%add3A_14, %dma_wait3A] : memref<10112x128xf32, #tpu.memory_space<vmem_shared>> -> memref<128x128xf32, #tpu.memory_space<vmem_shared>>
      %dma_wait3A_73 = arith.constant 0 : i32
      %dma_wait3A_74 = tpu.memref_slice %arg6[%add3A_14, %dma_wait3A_73] : memref<10112x128xf32, #tpu.memory_space<vmem_shared>> -> memref<128x128xf32, #tpu.memory_space<vmem_shared>>
      tpu.wait_dma2 semaphore(%run_scoped3A : memref<!tpu.dma_semaphore, #tpu.memory_space<semaphore_mem>>) src(%arg9 : memref<128x128xf32, #tpu.memory_space<vmem>>) dst(%dma_wait3A_74 : memref<128x128xf32, #tpu.memory_space<vmem_shared>>)
      tpu.yield
    }) : () -> ()
    %mul3A_15 = arith.constant 632 : i32
    %mul3A_16 = arith.muli %arg1, %mul3A_15 : i32
    %add3A_17 = arith.constant 256 : i32
    %add3A_18 = arith.addi %mul3A_16, %add3A_17 : i32
    "tpu.region"() ({
      %run_scoped3A = tpu.sem_alloc : memref<!tpu.dma_semaphore, #tpu.memory_space<semaphore_mem>>
      %dma_start3A_68 = arith.constant 0 : i32
      %dma_start3A_69 = tpu.memref_slice %arg6[%add3A_18, %dma_start3A_68] : memref<10112x128xf32, #tpu.memory_space<vmem_shared>> -> memref<128x128xf32, #tpu.memory_space<vmem_shared>>
      %dma_start3A_70 = arith.constant 0 : i32
      %dma_start3A_71 = tpu.memref_slice %arg6[%add3A_18, %dma_start3A_70] : memref<10112x128xf32, #tpu.memory_space<vmem_shared>> -> memref<128x128xf32, #tpu.memory_space<vmem_shared>>
      tpu.enqueue_dma source(%arg9 : memref<128x128xf32, #tpu.memory_space<vmem>>) target(%dma_start3A_71 : memref<128x128xf32, #tpu.memory_space<vmem_shared>>) target_semaphore(%run_scoped3A : memref<!tpu.dma_semaphore, #tpu.memory_space<semaphore_mem>>)
      %dma_wait3A = arith.constant 0 : i32
      %dma_wait3A_72 = tpu.memref_slice %arg6[%add3A_18, %dma_wait3A] : memref<10112x128xf32, #tpu.memory_space<vmem_shared>> -> memref<128x128xf32, #tpu.memory_space<vmem_shared>>
      %dma_wait3A_73 = arith.constant 0 : i32
      %dma_wait3A_74 = tpu.memref_slice %arg6[%add3A_18, %dma_wait3A_73] : memref<10112x128xf32, #tpu.memory_space<vmem_shared>> -> memref<128x128xf32, #tpu.memory_space<vmem_shared>>
      tpu.wait_dma2 semaphore(%run_scoped3A : memref<!tpu.dma_semaphore, #tpu.memory_space<semaphore_mem>>) src(%arg9 : memref<128x128xf32, #tpu.memory_space<vmem>>) dst(%dma_wait3A_74 : memref<128x128xf32, #tpu.memory_space<vmem_shared>>)
      tpu.yield
    }) : () -> ()
    %mul3A_19 = arith.constant 632 : i32
    %mul3A_20 = arith.muli %arg1, %mul3A_19 : i32
    %add3A_21 = arith.constant 384 : i32
    %add3A_22 = arith.addi %mul3A_20, %add3A_21 : i32
    "tpu.region"() ({
      %run_scoped3A = tpu.sem_alloc : memref<!tpu.dma_semaphore, #tpu.memory_space<semaphore_mem>>
      %dma_start3A_68 = arith.constant 0 : i32
      %dma_start3A_69 = tpu.memref_slice %arg6[%add3A_22, %dma_start3A_68] : memref<10112x128xf32, #tpu.memory_space<vmem_shared>> -> memref<128x128xf32, #tpu.memory_space<vmem_shared>>
      %dma_start3A_70 = arith.constant 0 : i32
      %dma_start3A_71 = tpu.memref_slice %arg6[%add3A_22, %dma_start3A_70] : memref<10112x128xf32, #tpu.memory_space<vmem_shared>> -> memref<128x128xf32, #tpu.memory_space<vmem_shared>>
      tpu.enqueue_dma source(%arg9 : memref<128x128xf32, #tpu.memory_space<vmem>>) target(%dma_start3A_71 : memref<128x128xf32, #tpu.memory_space<vmem_shared>>) target_semaphore(%run_scoped3A : memref<!tpu.dma_semaphore, #tpu.memory_space<semaphore_mem>>)
      %dma_wait3A = arith.constant 0 : i32
      %dma_wait3A_72 = tpu.memref_slice %arg6[%add3A_22, %dma_wait3A] : memref<10112x128xf32, #tpu.memory_space<vmem_shared>> -> memref<128x128xf32, #tpu.memory_space<vmem_shared>>
      %dma_wait3A_73 = arith.constant 0 : i32
      %dma_wait3A_74 = tpu.memref_slice %arg6[%add3A_22, %dma_wait3A_73] : memref<10112x128xf32, #tpu.memory_space<vmem_shared>> -> memref<128x128xf32, #tpu.memory_space<vmem_shared>>
      tpu.wait_dma2 semaphore(%run_scoped3A : memref<!tpu.dma_semaphore, #tpu.memory_space<semaphore_mem>>) src(%arg9 : memref<128x128xf32, #tpu.memory_space<vmem>>) dst(%dma_wait3A_74 : memref<128x128xf32, #tpu.memory_space<vmem_shared>>)
      tpu.yield
    }) : () -> ()
    %mul3A_23 = arith.constant 632 : i32
    %mul3A_24 = arith.muli %arg1, %mul3A_23 : i32
    %add3A_25 = arith.constant 512 : i32
    %add3A_26 = arith.addi %mul3A_24, %add3A_25 : i32
    "tpu.region"() ({
      %run_scoped3A = tpu.sem_alloc : memref<!tpu.dma_semaphore, #tpu.memory_space<semaphore_mem>>
      %dma_start3A_68 = arith.constant 0 : i32
      %dma_start3A_69 = arith.constant 0 : i32
      %dma_start3A_70 = tpu.memref_slice %arg9[%dma_start3A_68, %dma_start3A_69] : memref<128x128xf32, #tpu.memory_space<vmem>> -> memref<120x128xf32, #tpu.memory_space<vmem>>
      %dma_start3A_71 = arith.constant 0 : i32
      %dma_start3A_72 = tpu.memref_slice %arg6[%add3A_26, %dma_start3A_71] : memref<10112x128xf32, #tpu.memory_space<vmem_shared>> -> memref<120x128xf32, #tpu.memory_space<vmem_shared>>
      %dma_start3A_73 = arith.constant 0 : i32
      %dma_start3A_74 = tpu.memref_slice %arg6[%add3A_26, %dma_start3A_73] : memref<10112x128xf32, #tpu.memory_space<vmem_shared>> -> memref<120x128xf32, #tpu.memory_space<vmem_shared>>
      %dma_start3A_75 = arith.constant 0 : i32
      %dma_start3A_76 = arith.constant 0 : i32
      %dma_start3A_77 = tpu.memref_slice %arg9[%dma_start3A_75, %dma_start3A_76] : memref<128x128xf32, #tpu.memory_space<vmem>> -> memref<120x128xf32, #tpu.memory_space<vmem>>
      tpu.enqueue_dma source(%dma_start3A_77 : memref<120x128xf32, #tpu.memory_space<vmem>>) target(%dma_start3A_74 : memref<120x128xf32, #tpu.memory_space<vmem_shared>>) target_semaphore(%run_scoped3A : memref<!tpu.dma_semaphore, #tpu.memory_space<semaphore_mem>>)
      %dma_wait3A = arith.constant 0 : i32
      %dma_wait3A_78 = arith.constant 0 : i32
      %dma_wait3A_79 = tpu.memref_slice %arg9[%dma_wait3A, %dma_wait3A_78] : memref<128x128xf32, #tpu.memory_space<vmem>> -> memref<120x128xf32, #tpu.memory_space<vmem>>
      %dma_wait3A_80 = arith.constant 0 : i32
      %dma_wait3A_81 = tpu.memref_slice %arg6[%add3A_26, %dma_wait3A_80] : memref<10112x128xf32, #tpu.memory_space<vmem_shared>> -> memref<120x128xf32, #tpu.memory_space<vmem_shared>>
      %dma_wait3A_82 = arith.constant 0 : i32
      %dma_wait3A_83 = tpu.memref_slice %arg6[%add3A_26, %dma_wait3A_82] : memref<10112x128xf32, #tpu.memory_space<vmem_shared>> -> memref<120x128xf32, #tpu.memory_space<vmem_shared>>
      %dma_wait3A_84 = arith.constant 0 : i32
      %dma_wait3A_85 = arith.constant 0 : i32
      %dma_wait3A_86 = tpu.memref_slice %arg9[%dma_wait3A_84, %dma_wait3A_85] : memref<128x128xf32, #tpu.memory_space<vmem>> -> memref<120x128xf32, #tpu.memory_space<vmem>>
      tpu.wait_dma2 semaphore(%run_scoped3A : memref<!tpu.dma_semaphore, #tpu.memory_space<semaphore_mem>>) src(%dma_wait3A_86 : memref<120x128xf32, #tpu.memory_space<vmem>>) dst(%dma_wait3A_83 : memref<120x128xf32, #tpu.memory_space<vmem_shared>>)
      tpu.yield
    }) : () -> ()
    %mul3A_27 = arith.constant 80 : i32
    %mul3A_28 = arith.muli %add3A, %mul3A_27 : i32
    "tpu.region"() ({
      %run_scoped3A = tpu.sem_alloc : memref<!tpu.dma_semaphore, #tpu.memory_space<semaphore_mem>>
      %dma_start3A_68 = arith.constant 0 : i32
      %dma_start3A_69 = tpu.memref_slice %arg3[%mul3A_28, %dma_start3A_68] : memref<2560x128xi32, #tpu.memory_space<hbm>> -> memref<40x128xi32, #tpu.memory_space<hbm>>
      %dma_start3A_70 = arith.constant 0 : i32
      %dma_start3A_71 = tpu.memref_slice %arg3[%mul3A_28, %dma_start3A_70] : memref<2560x128xi32, #tpu.memory_space<hbm>> -> memref<40x128xi32, #tpu.memory_space<hbm>>
      tpu.enqueue_dma source(%dma_start3A_71 : memref<40x128xi32, #tpu.memory_space<hbm>>) target(%arg7 : memref<40x128xi32, #tpu.memory_space<vmem>>) target_semaphore(%run_scoped3A : memref<!tpu.dma_semaphore, #tpu.memory_space<semaphore_mem>>)
      %dma_wait3A = arith.constant 0 : i32
      %dma_wait3A_72 = tpu.memref_slice %arg3[%mul3A_28, %dma_wait3A] : memref<2560x128xi32, #tpu.memory_space<hbm>> -> memref<40x128xi32, #tpu.memory_space<hbm>>
      %dma_wait3A_73 = arith.constant 0 : i32
      %dma_wait3A_74 = tpu.memref_slice %arg3[%mul3A_28, %dma_wait3A_73] : memref<2560x128xi32, #tpu.memory_space<hbm>> -> memref<40x128xi32, #tpu.memory_space<hbm>>
      tpu.wait_dma2 semaphore(%run_scoped3A : memref<!tpu.dma_semaphore, #tpu.memory_space<semaphore_mem>>) src(%dma_wait3A_74 : memref<40x128xi32, #tpu.memory_space<hbm>>) dst(%arg7 : memref<40x128xi32, #tpu.memory_space<vmem>>)
      tpu.yield
    }) : () -> ()
    %mul3A_29 = arith.constant 80 : i32
    %mul3A_30 = arith.muli %add3A, %mul3A_29 : i32
    "tpu.region"() ({
      %run_scoped3A = tpu.sem_alloc : memref<!tpu.dma_semaphore, #tpu.memory_space<semaphore_mem>>
      %dma_start3A_68 = arith.constant 0 : i32
      %dma_start3A_69 = tpu.memref_slice %arg4[%mul3A_30, %dma_start3A_68] : memref<2560x128xi32, #tpu.memory_space<hbm>> -> memref<40x128xi32, #tpu.memory_space<hbm>>
      %dma_start3A_70 = arith.constant 0 : i32
      %dma_start3A_71 = tpu.memref_slice %arg4[%mul3A_30, %dma_start3A_70] : memref<2560x128xi32, #tpu.memory_space<hbm>> -> memref<40x128xi32, #tpu.memory_space<hbm>>
      tpu.enqueue_dma source(%dma_start3A_71 : memref<40x128xi32, #tpu.memory_space<hbm>>) target(%arg8 : memref<40x128xi32, #tpu.memory_space<vmem>>) target_semaphore(%run_scoped3A : memref<!tpu.dma_semaphore, #tpu.memory_space<semaphore_mem>>)
      %dma_wait3A = arith.constant 0 : i32
      %dma_wait3A_72 = tpu.memref_slice %arg4[%mul3A_30, %dma_wait3A] : memref<2560x128xi32, #tpu.memory_space<hbm>> -> memref<40x128xi32, #tpu.memory_space<hbm>>
      %dma_wait3A_73 = arith.constant 0 : i32
      %dma_wait3A_74 = tpu.memref_slice %arg4[%mul3A_30, %dma_wait3A_73] : memref<2560x128xi32, #tpu.memory_space<hbm>> -> memref<40x128xi32, #tpu.memory_space<hbm>>
      tpu.wait_dma2 semaphore(%run_scoped3A : memref<!tpu.dma_semaphore, #tpu.memory_space<semaphore_mem>>) src(%dma_wait3A_74 : memref<40x128xi32, #tpu.memory_space<hbm>>) dst(%arg8 : memref<40x128xi32, #tpu.memory_space<vmem>>)
      tpu.yield
    }) : () -> ()
    %barrier3A = arith.constant 0 : index
    tpu.barrier barrier_id(%barrier3A)
    %dma_start3A = arith.constant 0 : i32
    %dma_start3A_31 = arith.constant 0 : i32
    %dma_start3A_32 = tpu.memref_slice %arg7[%dma_start3A, %dma_start3A_31] : memref<40x128xi32, #tpu.memory_space<vmem>> -> memref<1x128xi32, #tpu.memory_space<vmem>>
    %dma_start3A_33 = tpu.memref_squeeze %dma_start3A_32 : memref<1x128xi32, #tpu.memory_space<vmem>> -> memref<128xi32, #tpu.memory_space<vmem>>
    %dma_start3A_34 = arith.constant 0 : i32
    %dma_start3A_35 = arith.constant 0 : i32
    %dma_start3A_36 = tpu.memref_slice %arg2[%dma_start3A_34, %dma_start3A_35] : memref<20000x128xf32, #tpu.memory_space<hbm>> -> memref<20000x128xf32, #tpu.memory_space<hbm>>
    tpu.enqueue_indirect_dma source(%dma_start3A_36 : memref<20000x128xf32, #tpu.memory_space<hbm>>) target(%arg9 : memref<128x128xf32, #tpu.memory_space<vmem>>) offsets(%dma_start3A_33 : memref<128xi32, #tpu.memory_space<vmem>>) semaphore(%arg11 : memref<!tpu.dma_semaphore, #tpu.memory_space<semaphore_mem>>)
    %scan3A_37 = arith.constant 0 : i32
    %scan3A_38 = arith.constant 0 : i32
    %scan3A_39 = arith.constant 20 : i32
    %scan3A_40 = arith.addi %scan3A_38, %scan3A_39 : i32
    %scan3A_41 = arith.constant 1 : i32
    scf.for %scan3A_68 = %scan3A_38 to %scan3A_40 step %scan3A_41  : i32 {
      %mul3A_69 = arith.constant 2 : i32
      %mul3A_70 = arith.muli %mul3A_69, %scan3A_68 : i32
      %add3A_71 = arith.constant 1 : i32
      %add3A_72 = arith.addi %mul3A_70, %add3A_71 : i32
      %dma_start3A_73 = arith.constant 0 : i32
      %dma_start3A_74 = tpu.memref_slice %arg7[%add3A_72, %dma_start3A_73] : memref<40x128xi32, #tpu.memory_space<vmem>> -> memref<1x128xi32, #tpu.memory_space<vmem>>
      %dma_start3A_75 = tpu.memref_squeeze %dma_start3A_74 : memref<1x128xi32, #tpu.memory_space<vmem>> -> memref<128xi32, #tpu.memory_space<vmem>>
      %dma_start3A_76 = arith.constant 0 : i32
      %dma_start3A_77 = arith.constant 0 : i32
      %dma_start3A_78 = tpu.memref_slice %arg2[%dma_start3A_76, %dma_start3A_77] : memref<20000x128xf32, #tpu.memory_space<hbm>> -> memref<20000x128xf32, #tpu.memory_space<hbm>>
      tpu.enqueue_indirect_dma source(%dma_start3A_78 : memref<20000x128xf32, #tpu.memory_space<hbm>>) target(%arg10 : memref<128x128xf32, #tpu.memory_space<vmem>>) offsets(%dma_start3A_75 : memref<128xi32, #tpu.memory_space<vmem>>) semaphore(%arg12 : memref<!tpu.dma_semaphore, #tpu.memory_space<semaphore_mem>>)
      %dma_wait3A = arith.constant 0 : i32
      %dma_wait3A_79 = tpu.memref_slice %arg7[%mul3A_70, %dma_wait3A] : memref<40x128xi32, #tpu.memory_space<vmem>> -> memref<1x128xi32, #tpu.memory_space<vmem>>
      %dma_wait3A_80 = tpu.memref_squeeze %dma_wait3A_79 : memref<1x128xi32, #tpu.memory_space<vmem>> -> memref<128xi32, #tpu.memory_space<vmem>>
      %dma_wait3A_81 = arith.constant 0 : i32
      %dma_wait3A_82 = arith.constant 0 : i32
      %dma_wait3A_83 = tpu.memref_slice %arg2[%dma_wait3A_81, %dma_wait3A_82] : memref<20000x128xf32, #tpu.memory_space<hbm>> -> memref<20000x128xf32, #tpu.memory_space<hbm>>
      tpu.wait_indirect_dma semaphore(%arg11 : memref<!tpu.dma_semaphore, #tpu.memory_space<semaphore_mem>>) src(%dma_wait3A_83 : memref<20000x128xf32, #tpu.memory_space<hbm>>) dst(%arg9 : memref<128x128xf32, #tpu.memory_space<vmem>>)
      "tpu.region"() ({
        %run_scoped3A = tpu.sem_alloc : memref<!tpu.dma_semaphore, #tpu.memory_space<semaphore_mem>>
        %dma_start3A_94 = arith.constant 0 : i32
        %dma_start3A_95 = tpu.memref_slice %arg8[%mul3A_70, %dma_start3A_94] : memref<40x128xi32, #tpu.memory_space<vmem>> -> memref<1x128xi32, #tpu.memory_space<vmem>>
        %dma_start3A_96 = tpu.memref_squeeze %dma_start3A_95 : memref<1x128xi32, #tpu.memory_space<vmem>> -> memref<128xi32, #tpu.memory_space<vmem>>
        %dma_start3A_97 = arith.constant 0 : i32
        %dma_start3A_98 = arith.constant 0 : i32
        %dma_start3A_99 = tpu.memref_slice %arg6[%dma_start3A_97, %dma_start3A_98] : memref<10112x128xf32, #tpu.memory_space<vmem_shared>> -> memref<10112x128xf32, #tpu.memory_space<vmem_shared>>
        tpu.enqueue_indirect_dma source(%arg9 : memref<128x128xf32, #tpu.memory_space<vmem>>) target(%dma_start3A_99 : memref<10112x128xf32, #tpu.memory_space<vmem_shared>>) offsets(%dma_start3A_96 : memref<128xi32, #tpu.memory_space<vmem>>) semaphore(%run_scoped3A : memref<!tpu.dma_semaphore, #tpu.memory_space<semaphore_mem>>) {add = true}
        %dma_wait3A_100 = arith.constant 0 : i32
        %dma_wait3A_101 = tpu.memref_slice %arg8[%mul3A_70, %dma_wait3A_100] : memref<40x128xi32, #tpu.memory_space<vmem>> -> memref<1x128xi32, #tpu.memory_space<vmem>>
        %dma_wait3A_102 = tpu.memref_squeeze %dma_wait3A_101 : memref<1x128xi32, #tpu.memory_space<vmem>> -> memref<128xi32, #tpu.memory_space<vmem>>
        %dma_wait3A_103 = arith.constant 0 : i32
        %dma_wait3A_104 = arith.constant 0 : i32
        %dma_wait3A_105 = tpu.memref_slice %arg6[%dma_wait3A_103, %dma_wait3A_104] : memref<10112x128xf32, #tpu.memory_space<vmem_shared>> -> memref<10112x128xf32, #tpu.memory_space<vmem_shared>>
        tpu.wait_indirect_dma semaphore(%run_scoped3A : memref<!tpu.dma_semaphore, #tpu.memory_space<semaphore_mem>>) src(%arg9 : memref<128x128xf32, #tpu.memory_space<vmem>>) dst(%dma_wait3A_105 : memref<10112x128xf32, #tpu.memory_space<vmem_shared>>)
        tpu.yield
      }) : () -> ()
      %add3A_84 = arith.constant 1 : i32
      %add3A_85 = arith.addi %scan3A_68, %add3A_84 : i32
      %lt3A = arith.constant 20 : i32
      %lt3A_86 = arith.cmpi slt, %add3A_85, %lt3A : i32
      %convert_element_type3A = arith.extui %lt3A_86 : i1 to i32
      %cond3A = arith.constant 0 : i32
      %cond3A_87 = arith.cmpi ne, %convert_element_type3A, %cond3A : i32
      scf.if %cond3A_87 {
        %add3A_94 = arith.constant 2 : i32
        %add3A_95 = arith.addi %mul3A_70, %add3A_94 : i32
        %dma_start3A_96 = arith.constant 0 : i32
        %dma_start3A_97 = tpu.memref_slice %arg7[%add3A_95, %dma_start3A_96] : memref<40x128xi32, #tpu.memory_space<vmem>> -> memref<1x128xi32, #tpu.memory_space<vmem>>
        %dma_start3A_98 = tpu.memref_squeeze %dma_start3A_97 : memref<1x128xi32, #tpu.memory_space<vmem>> -> memref<128xi32, #tpu.memory_space<vmem>>
        %dma_start3A_99 = arith.constant 0 : i32
        %dma_start3A_100 = arith.constant 0 : i32
        %dma_start3A_101 = tpu.memref_slice %arg2[%dma_start3A_99, %dma_start3A_100] : memref<20000x128xf32, #tpu.memory_space<hbm>> -> memref<20000x128xf32, #tpu.memory_space<hbm>>
        tpu.enqueue_indirect_dma source(%dma_start3A_101 : memref<20000x128xf32, #tpu.memory_space<hbm>>) target(%arg9 : memref<128x128xf32, #tpu.memory_space<vmem>>) offsets(%dma_start3A_98 : memref<128xi32, #tpu.memory_space<vmem>>) semaphore(%arg11 : memref<!tpu.dma_semaphore, #tpu.memory_space<semaphore_mem>>)
      } else {
      }
      %dma_wait3A_88 = arith.constant 0 : i32
      %dma_wait3A_89 = tpu.memref_slice %arg7[%add3A_72, %dma_wait3A_88] : memref<40x128xi32, #tpu.memory_space<vmem>> -> memref<1x128xi32, #tpu.memory_space<vmem>>
      %dma_wait3A_90 = tpu.memref_squeeze %dma_wait3A_89 : memref<1x128xi32, #tpu.memory_space<vmem>> -> memref<128xi32, #tpu.memory_space<vmem>>
      %dma_wait3A_91 = arith.constant 0 : i32
      %dma_wait3A_92 = arith.constant 0 : i32
      %dma_wait3A_93 = tpu.memref_slice %arg2[%dma_wait3A_91, %dma_wait3A_92] : memref<20000x128xf32, #tpu.memory_space<hbm>> -> memref<20000x128xf32, #tpu.memory_space<hbm>>
      tpu.wait_indirect_dma semaphore(%arg12 : memref<!tpu.dma_semaphore, #tpu.memory_space<semaphore_mem>>) src(%dma_wait3A_93 : memref<20000x128xf32, #tpu.memory_space<hbm>>) dst(%arg10 : memref<128x128xf32, #tpu.memory_space<vmem>>)
      "tpu.region"() ({
        %run_scoped3A = tpu.sem_alloc : memref<!tpu.dma_semaphore, #tpu.memory_space<semaphore_mem>>
        %dma_start3A_94 = arith.constant 0 : i32
        %dma_start3A_95 = tpu.memref_slice %arg8[%add3A_72, %dma_start3A_94] : memref<40x128xi32, #tpu.memory_space<vmem>> -> memref<1x128xi32, #tpu.memory_space<vmem>>
        %dma_start3A_96 = tpu.memref_squeeze %dma_start3A_95 : memref<1x128xi32, #tpu.memory_space<vmem>> -> memref<128xi32, #tpu.memory_space<vmem>>
        %dma_start3A_97 = arith.constant 0 : i32
        %dma_start3A_98 = arith.constant 0 : i32
        %dma_start3A_99 = tpu.memref_slice %arg6[%dma_start3A_97, %dma_start3A_98] : memref<10112x128xf32, #tpu.memory_space<vmem_shared>> -> memref<10112x128xf32, #tpu.memory_space<vmem_shared>>
        tpu.enqueue_indirect_dma source(%arg10 : memref<128x128xf32, #tpu.memory_space<vmem>>) target(%dma_start3A_99 : memref<10112x128xf32, #tpu.memory_space<vmem_shared>>) offsets(%dma_start3A_96 : memref<128xi32, #tpu.memory_space<vmem>>) semaphore(%run_scoped3A : memref<!tpu.dma_semaphore, #tpu.memory_space<semaphore_mem>>) {add = true}
        %dma_wait3A_100 = arith.constant 0 : i32
        %dma_wait3A_101 = tpu.memref_slice %arg8[%add3A_72, %dma_wait3A_100] : memref<40x128xi32, #tpu.memory_space<vmem>> -> memref<1x128xi32, #tpu.memory_space<vmem>>
        %dma_wait3A_102 = tpu.memref_squeeze %dma_wait3A_101 : memref<1x128xi32, #tpu.memory_space<vmem>> -> memref<128xi32, #tpu.memory_space<vmem>>
        %dma_wait3A_103 = arith.constant 0 : i32
        %dma_wait3A_104 = arith.constant 0 : i32
        %dma_wait3A_105 = tpu.memref_slice %arg6[%dma_wait3A_103, %dma_wait3A_104] : memref<10112x128xf32, #tpu.memory_space<vmem_shared>> -> memref<10112x128xf32, #tpu.memory_space<vmem_shared>>
        tpu.wait_indirect_dma semaphore(%run_scoped3A : memref<!tpu.dma_semaphore, #tpu.memory_space<semaphore_mem>>) src(%arg10 : memref<128x128xf32, #tpu.memory_space<vmem>>) dst(%dma_wait3A_105 : memref<10112x128xf32, #tpu.memory_space<vmem_shared>>)
        tpu.yield
      }) : () -> ()
    }
    %scan3A_42 = arith.constant 20 : i32
    %mul3A_43 = arith.constant 80 : i32
    %mul3A_44 = arith.muli %add3A, %mul3A_43 : i32
    %add3A_45 = arith.constant 40 : i32
    %add3A_46 = arith.addi %mul3A_44, %add3A_45 : i32
    "tpu.region"() ({
      %run_scoped3A = tpu.sem_alloc : memref<!tpu.dma_semaphore, #tpu.memory_space<semaphore_mem>>
      %dma_start3A_68 = arith.constant 0 : i32
      %dma_start3A_69 = tpu.memref_slice %arg3[%add3A_46, %dma_start3A_68] : memref<2560x128xi32, #tpu.memory_space<hbm>> -> memref<40x128xi32, #tpu.memory_space<hbm>>
      %dma_start3A_70 = arith.constant 0 : i32
      %dma_start3A_71 = tpu.memref_slice %arg3[%add3A_46, %dma_start3A_70] : memref<2560x128xi32, #tpu.memory_space<hbm>> -> memref<40x128xi32, #tpu.memory_space<hbm>>
      tpu.enqueue_dma source(%dma_start3A_71 : memref<40x128xi32, #tpu.memory_space<hbm>>) target(%arg7 : memref<40x128xi32, #tpu.memory_space<vmem>>) target_semaphore(%run_scoped3A : memref<!tpu.dma_semaphore, #tpu.memory_space<semaphore_mem>>)
      %dma_wait3A = arith.constant 0 : i32
      %dma_wait3A_72 = tpu.memref_slice %arg3[%add3A_46, %dma_wait3A] : memref<2560x128xi32, #tpu.memory_space<hbm>> -> memref<40x128xi32, #tpu.memory_space<hbm>>
      %dma_wait3A_73 = arith.constant 0 : i32
      %dma_wait3A_74 = tpu.memref_slice %arg3[%add3A_46, %dma_wait3A_73] : memref<2560x128xi32, #tpu.memory_space<hbm>> -> memref<40x128xi32, #tpu.memory_space<hbm>>
      tpu.wait_dma2 semaphore(%run_scoped3A : memref<!tpu.dma_semaphore, #tpu.memory_space<semaphore_mem>>) src(%dma_wait3A_74 : memref<40x128xi32, #tpu.memory_space<hbm>>) dst(%arg7 : memref<40x128xi32, #tpu.memory_space<vmem>>)
      tpu.yield
    }) : () -> ()
    "tpu.region"() ({
      %run_scoped3A = tpu.sem_alloc : memref<!tpu.dma_semaphore, #tpu.memory_space<semaphore_mem>>
      %dma_start3A_68 = arith.constant 0 : i32
      %dma_start3A_69 = tpu.memref_slice %arg4[%add3A_46, %dma_start3A_68] : memref<2560x128xi32, #tpu.memory_space<hbm>> -> memref<40x128xi32, #tpu.memory_space<hbm>>
      %dma_start3A_70 = arith.constant 0 : i32
      %dma_start3A_71 = tpu.memref_slice %arg4[%add3A_46, %dma_start3A_70] : memref<2560x128xi32, #tpu.memory_space<hbm>> -> memref<40x128xi32, #tpu.memory_space<hbm>>
      tpu.enqueue_dma source(%dma_start3A_71 : memref<40x128xi32, #tpu.memory_space<hbm>>) target(%arg8 : memref<40x128xi32, #tpu.memory_space<vmem>>) target_semaphore(%run_scoped3A : memref<!tpu.dma_semaphore, #tpu.memory_space<semaphore_mem>>)
      %dma_wait3A = arith.constant 0 : i32
      %dma_wait3A_72 = tpu.memref_slice %arg4[%add3A_46, %dma_wait3A] : memref<2560x128xi32, #tpu.memory_space<hbm>> -> memref<40x128xi32, #tpu.memory_space<hbm>>
      %dma_wait3A_73 = arith.constant 0 : i32
      %dma_wait3A_74 = tpu.memref_slice %arg4[%add3A_46, %dma_wait3A_73] : memref<2560x128xi32, #tpu.memory_space<hbm>> -> memref<40x128xi32, #tpu.memory_space<hbm>>
      tpu.wait_dma2 semaphore(%run_scoped3A : memref<!tpu.dma_semaphore, #tpu.memory_space<semaphore_mem>>) src(%dma_wait3A_74 : memref<40x128xi32, #tpu.memory_space<hbm>>) dst(%arg8 : memref<40x128xi32, #tpu.memory_space<vmem>>)
      tpu.yield
    }) : () -> ()
    %dma_start3A_47 = arith.constant 0 : i32
    %dma_start3A_48 = arith.constant 0 : i32
    %dma_start3A_49 = tpu.memref_slice %arg7[%dma_start3A_47, %dma_start3A_48] : memref<40x128xi32, #tpu.memory_space<vmem>> -> memref<1x128xi32, #tpu.memory_space<vmem>>
    %dma_start3A_50 = tpu.memref_squeeze %dma_start3A_49 : memref<1x128xi32, #tpu.memory_space<vmem>> -> memref<128xi32, #tpu.memory_space<vmem>>
    %dma_start3A_51 = arith.constant 0 : i32
    %dma_start3A_52 = arith.constant 0 : i32
    %dma_start3A_53 = tpu.memref_slice %arg2[%dma_start3A_51, %dma_start3A_52] : memref<20000x128xf32, #tpu.memory_space<hbm>> -> memref<20000x128xf32, #tpu.memory_space<hbm>>
    tpu.enqueue_indirect_dma source(%dma_start3A_53 : memref<20000x128xf32, #tpu.memory_space<hbm>>) target(%arg9 : memref<128x128xf32, #tpu.memory_space<vmem>>) offsets(%dma_start3A_50 : memref<128xi32, #tpu.memory_space<vmem>>) semaphore(%arg11 : memref<!tpu.dma_semaphore, #tpu.memory_space<semaphore_mem>>)
    %scan3A_54 = arith.constant 0 : i32
    %scan3A_55 = arith.constant 0 : i32
    %scan3A_56 = arith.constant 20 : i32
    %scan3A_57 = arith.addi %scan3A_55, %scan3A_56 : i32
    %scan3A_58 = arith.constant 1 : i32
    scf.for %scan3A_68 = %scan3A_55 to %scan3A_57 step %scan3A_58  : i32 {
      %mul3A_69 = arith.constant 2 : i32
      %mul3A_70 = arith.muli %mul3A_69, %scan3A_68 : i32
      %add3A_71 = arith.constant 1 : i32
      %add3A_72 = arith.addi %mul3A_70, %add3A_71 : i32
      %dma_start3A_73 = arith.constant 0 : i32
      %dma_start3A_74 = tpu.memref_slice %arg7[%add3A_72, %dma_start3A_73] : memref<40x128xi32, #tpu.memory_space<vmem>> -> memref<1x128xi32, #tpu.memory_space<vmem>>
      %dma_start3A_75 = tpu.memref_squeeze %dma_start3A_74 : memref<1x128xi32, #tpu.memory_space<vmem>> -> memref<128xi32, #tpu.memory_space<vmem>>
      %dma_start3A_76 = arith.constant 0 : i32
      %dma_start3A_77 = arith.constant 0 : i32
      %dma_start3A_78 = tpu.memref_slice %arg2[%dma_start3A_76, %dma_start3A_77] : memref<20000x128xf32, #tpu.memory_space<hbm>> -> memref<20000x128xf32, #tpu.memory_space<hbm>>
      tpu.enqueue_indirect_dma source(%dma_start3A_78 : memref<20000x128xf32, #tpu.memory_space<hbm>>) target(%arg10 : memref<128x128xf32, #tpu.memory_space<vmem>>) offsets(%dma_start3A_75 : memref<128xi32, #tpu.memory_space<vmem>>) semaphore(%arg12 : memref<!tpu.dma_semaphore, #tpu.memory_space<semaphore_mem>>)
      %dma_wait3A = arith.constant 0 : i32
      %dma_wait3A_79 = tpu.memref_slice %arg7[%mul3A_70, %dma_wait3A] : memref<40x128xi32, #tpu.memory_space<vmem>> -> memref<1x128xi32, #tpu.memory_space<vmem>>
      %dma_wait3A_80 = tpu.memref_squeeze %dma_wait3A_79 : memref<1x128xi32, #tpu.memory_space<vmem>> -> memref<128xi32, #tpu.memory_space<vmem>>
      %dma_wait3A_81 = arith.constant 0 : i32
      %dma_wait3A_82 = arith.constant 0 : i32
      %dma_wait3A_83 = tpu.memref_slice %arg2[%dma_wait3A_81, %dma_wait3A_82] : memref<20000x128xf32, #tpu.memory_space<hbm>> -> memref<20000x128xf32, #tpu.memory_space<hbm>>
      tpu.wait_indirect_dma semaphore(%arg11 : memref<!tpu.dma_semaphore, #tpu.memory_space<semaphore_mem>>) src(%dma_wait3A_83 : memref<20000x128xf32, #tpu.memory_space<hbm>>) dst(%arg9 : memref<128x128xf32, #tpu.memory_space<vmem>>)
      "tpu.region"() ({
        %run_scoped3A = tpu.sem_alloc : memref<!tpu.dma_semaphore, #tpu.memory_space<semaphore_mem>>
        %dma_start3A_94 = arith.constant 0 : i32
        %dma_start3A_95 = tpu.memref_slice %arg8[%mul3A_70, %dma_start3A_94] : memref<40x128xi32, #tpu.memory_space<vmem>> -> memref<1x128xi32, #tpu.memory_space<vmem>>
        %dma_start3A_96 = tpu.memref_squeeze %dma_start3A_95 : memref<1x128xi32, #tpu.memory_space<vmem>> -> memref<128xi32, #tpu.memory_space<vmem>>
        %dma_start3A_97 = arith.constant 0 : i32
        %dma_start3A_98 = arith.constant 0 : i32
        %dma_start3A_99 = tpu.memref_slice %arg6[%dma_start3A_97, %dma_start3A_98] : memref<10112x128xf32, #tpu.memory_space<vmem_shared>> -> memref<10112x128xf32, #tpu.memory_space<vmem_shared>>
        tpu.enqueue_indirect_dma source(%arg9 : memref<128x128xf32, #tpu.memory_space<vmem>>) target(%dma_start3A_99 : memref<10112x128xf32, #tpu.memory_space<vmem_shared>>) offsets(%dma_start3A_96 : memref<128xi32, #tpu.memory_space<vmem>>) semaphore(%run_scoped3A : memref<!tpu.dma_semaphore, #tpu.memory_space<semaphore_mem>>) {add = true}
        %dma_wait3A_100 = arith.constant 0 : i32
        %dma_wait3A_101 = tpu.memref_slice %arg8[%mul3A_70, %dma_wait3A_100] : memref<40x128xi32, #tpu.memory_space<vmem>> -> memref<1x128xi32, #tpu.memory_space<vmem>>
        %dma_wait3A_102 = tpu.memref_squeeze %dma_wait3A_101 : memref<1x128xi32, #tpu.memory_space<vmem>> -> memref<128xi32, #tpu.memory_space<vmem>>
        %dma_wait3A_103 = arith.constant 0 : i32
        %dma_wait3A_104 = arith.constant 0 : i32
        %dma_wait3A_105 = tpu.memref_slice %arg6[%dma_wait3A_103, %dma_wait3A_104] : memref<10112x128xf32, #tpu.memory_space<vmem_shared>> -> memref<10112x128xf32, #tpu.memory_space<vmem_shared>>
        tpu.wait_indirect_dma semaphore(%run_scoped3A : memref<!tpu.dma_semaphore, #tpu.memory_space<semaphore_mem>>) src(%arg9 : memref<128x128xf32, #tpu.memory_space<vmem>>) dst(%dma_wait3A_105 : memref<10112x128xf32, #tpu.memory_space<vmem_shared>>)
        tpu.yield
      }) : () -> ()
      %add3A_84 = arith.constant 1 : i32
      %add3A_85 = arith.addi %scan3A_68, %add3A_84 : i32
      %lt3A = arith.constant 20 : i32
      %lt3A_86 = arith.cmpi slt, %add3A_85, %lt3A : i32
      %convert_element_type3A = arith.extui %lt3A_86 : i1 to i32
      %cond3A = arith.constant 0 : i32
      %cond3A_87 = arith.cmpi ne, %convert_element_type3A, %cond3A : i32
      scf.if %cond3A_87 {
        %add3A_94 = arith.constant 2 : i32
        %add3A_95 = arith.addi %mul3A_70, %add3A_94 : i32
        %dma_start3A_96 = arith.constant 0 : i32
        %dma_start3A_97 = tpu.memref_slice %arg7[%add3A_95, %dma_start3A_96] : memref<40x128xi32, #tpu.memory_space<vmem>> -> memref<1x128xi32, #tpu.memory_space<vmem>>
        %dma_start3A_98 = tpu.memref_squeeze %dma_start3A_97 : memref<1x128xi32, #tpu.memory_space<vmem>> -> memref<128xi32, #tpu.memory_space<vmem>>
        %dma_start3A_99 = arith.constant 0 : i32
        %dma_start3A_100 = arith.constant 0 : i32
        %dma_start3A_101 = tpu.memref_slice %arg2[%dma_start3A_99, %dma_start3A_100] : memref<20000x128xf32, #tpu.memory_space<hbm>> -> memref<20000x128xf32, #tpu.memory_space<hbm>>
        tpu.enqueue_indirect_dma source(%dma_start3A_101 : memref<20000x128xf32, #tpu.memory_space<hbm>>) target(%arg9 : memref<128x128xf32, #tpu.memory_space<vmem>>) offsets(%dma_start3A_98 : memref<128xi32, #tpu.memory_space<vmem>>) semaphore(%arg11 : memref<!tpu.dma_semaphore, #tpu.memory_space<semaphore_mem>>)
      } else {
      }
      %dma_wait3A_88 = arith.constant 0 : i32
      %dma_wait3A_89 = tpu.memref_slice %arg7[%add3A_72, %dma_wait3A_88] : memref<40x128xi32, #tpu.memory_space<vmem>> -> memref<1x128xi32, #tpu.memory_space<vmem>>
      %dma_wait3A_90 = tpu.memref_squeeze %dma_wait3A_89 : memref<1x128xi32, #tpu.memory_space<vmem>> -> memref<128xi32, #tpu.memory_space<vmem>>
      %dma_wait3A_91 = arith.constant 0 : i32
      %dma_wait3A_92 = arith.constant 0 : i32
      %dma_wait3A_93 = tpu.memref_slice %arg2[%dma_wait3A_91, %dma_wait3A_92] : memref<20000x128xf32, #tpu.memory_space<hbm>> -> memref<20000x128xf32, #tpu.memory_space<hbm>>
      tpu.wait_indirect_dma semaphore(%arg12 : memref<!tpu.dma_semaphore, #tpu.memory_space<semaphore_mem>>) src(%dma_wait3A_93 : memref<20000x128xf32, #tpu.memory_space<hbm>>) dst(%arg10 : memref<128x128xf32, #tpu.memory_space<vmem>>)
      "tpu.region"() ({
        %run_scoped3A = tpu.sem_alloc : memref<!tpu.dma_semaphore, #tpu.memory_space<semaphore_mem>>
        %dma_start3A_94 = arith.constant 0 : i32
        %dma_start3A_95 = tpu.memref_slice %arg8[%add3A_72, %dma_start3A_94] : memref<40x128xi32, #tpu.memory_space<vmem>> -> memref<1x128xi32, #tpu.memory_space<vmem>>
        %dma_start3A_96 = tpu.memref_squeeze %dma_start3A_95 : memref<1x128xi32, #tpu.memory_space<vmem>> -> memref<128xi32, #tpu.memory_space<vmem>>
        %dma_start3A_97 = arith.constant 0 : i32
        %dma_start3A_98 = arith.constant 0 : i32
        %dma_start3A_99 = tpu.memref_slice %arg6[%dma_start3A_97, %dma_start3A_98] : memref<10112x128xf32, #tpu.memory_space<vmem_shared>> -> memref<10112x128xf32, #tpu.memory_space<vmem_shared>>
        tpu.enqueue_indirect_dma source(%arg10 : memref<128x128xf32, #tpu.memory_space<vmem>>) target(%dma_start3A_99 : memref<10112x128xf32, #tpu.memory_space<vmem_shared>>) offsets(%dma_start3A_96 : memref<128xi32, #tpu.memory_space<vmem>>) semaphore(%run_scoped3A : memref<!tpu.dma_semaphore, #tpu.memory_space<semaphore_mem>>) {add = true}
        %dma_wait3A_100 = arith.constant 0 : i32
        %dma_wait3A_101 = tpu.memref_slice %arg8[%add3A_72, %dma_wait3A_100] : memref<40x128xi32, #tpu.memory_space<vmem>> -> memref<1x128xi32, #tpu.memory_space<vmem>>
        %dma_wait3A_102 = tpu.memref_squeeze %dma_wait3A_101 : memref<1x128xi32, #tpu.memory_space<vmem>> -> memref<128xi32, #tpu.memory_space<vmem>>
        %dma_wait3A_103 = arith.constant 0 : i32
        %dma_wait3A_104 = arith.constant 0 : i32
        %dma_wait3A_105 = tpu.memref_slice %arg6[%dma_wait3A_103, %dma_wait3A_104] : memref<10112x128xf32, #tpu.memory_space<vmem_shared>> -> memref<10112x128xf32, #tpu.memory_space<vmem_shared>>
        tpu.wait_indirect_dma semaphore(%run_scoped3A : memref<!tpu.dma_semaphore, #tpu.memory_space<semaphore_mem>>) src(%arg10 : memref<128x128xf32, #tpu.memory_space<vmem>>) dst(%dma_wait3A_105 : memref<10112x128xf32, #tpu.memory_space<vmem_shared>>)
        tpu.yield
      }) : () -> ()
    }
    %scan3A_59 = arith.constant 20 : i32
    %barrier3A_60 = arith.constant 0 : index
    tpu.barrier barrier_id(%barrier3A_60)
    %mul3A_61 = arith.constant 632 : i32
    %mul3A_62 = arith.muli %arg1, %mul3A_61 : i32
    %mul3A_63 = arith.constant 10112 : i32
    %mul3A_64 = arith.muli %arg0, %mul3A_63 : i32
    %mul3A_65 = arith.constant 632 : i32
    %mul3A_66 = arith.muli %arg1, %mul3A_65 : i32
    %add3A_67 = arith.addi %mul3A_64, %mul3A_66 : i32
    "tpu.region"() ({
      %run_scoped3A = tpu.sem_alloc : memref<!tpu.dma_semaphore, #tpu.memory_space<semaphore_mem>>
      %dma_start3A_68 = arith.constant 0 : i32
      %dma_start3A_69 = tpu.memref_slice %arg5[%add3A_67, %dma_start3A_68] : memref<20224x128xf32, #tpu.memory_space<hbm>> -> memref<632x128xf32, #tpu.memory_space<hbm>>
      %dma_start3A_70 = arith.constant 0 : i32
      %dma_start3A_71 = tpu.memref_slice %arg6[%mul3A_62, %dma_start3A_70] : memref<10112x128xf32, #tpu.memory_space<vmem_shared>> -> memref<632x128xf32, #tpu.memory_space<vmem_shared>>
      tpu.enqueue_dma source(%dma_start3A_71 : memref<632x128xf32, #tpu.memory_space<vmem_shared>>) target(%dma_start3A_69 : memref<632x128xf32, #tpu.memory_space<hbm>>) target_semaphore(%run_scoped3A : memref<!tpu.dma_semaphore, #tpu.memory_space<semaphore_mem>>)
      %dma_wait3A = arith.constant 0 : i32
      %dma_wait3A_72 = tpu.memref_slice %arg5[%add3A_67, %dma_wait3A] : memref<20224x128xf32, #tpu.memory_space<hbm>> -> memref<632x128xf32, #tpu.memory_space<hbm>>
      %dma_wait3A_73 = arith.constant 0 : i32
      %dma_wait3A_74 = tpu.memref_slice %arg6[%mul3A_62, %dma_wait3A_73] : memref<10112x128xf32, #tpu.memory_space<vmem_shared>> -> memref<632x128xf32, #tpu.memory_space<vmem_shared>>
      tpu.wait_dma2 semaphore(%run_scoped3A : memref<!tpu.dma_semaphore, #tpu.memory_space<semaphore_mem>>) src(%dma_wait3A_74 : memref<632x128xf32, #tpu.memory_space<vmem_shared>>) dst(%dma_wait3A_72 : memref<632x128xf32, #tpu.memory_space<hbm>>)
      tpu.yield
    }) : () -> ()
    return
  }
}

module attributes {stable_mosaic.version = 14 : i64} {
  func.func @_final_body(%arg0: i32, %arg1: memref<2x5000x128xf32, #tpu.memory_space<vmem>>, %arg2: memref<5000x128xf32, #tpu.memory_space<vmem>>, %arg3: memref<128x128xf32, #tpu.memory_space<vmem>>, %arg4: memref<1x128xf32, #tpu.memory_space<vmem>>, %arg5: memref<5000x128xf32, #tpu.memory_space<vmem>>) attributes {dimension_semantics = [#tpu.dimension_semantics<arbitrary>], iteration_bounds = array<i64: 2>, scalar_prefetch = 0 : i64, scratch_operands = 0 : i64, tpu.core_type = #tpu.core_type<tc>, window_params = [{transform_indices = @transform_0, window_bounds = array<i64: 2, 5000, 128>}, {transform_indices = @transform_1, window_bounds = array<i64: 5000, 128>}, {pipeline_mode = #tpu.pipeline_mode<synchronous>, transform_indices = @transform_2, window_bounds = array<i64: 128, 128>}, {pipeline_mode = #tpu.pipeline_mode<synchronous>, transform_indices = @transform_3, window_bounds = array<i64: 1, 128>}, {transform_indices = @transform_4, window_bounds = array<i64: 5000, 128>}]} {
    %get3A = arith.constant 0 : index
    %get3A_0 = arith.constant 0 : index
    %get3A_1 = arith.constant 0 : index
    %get3A_2 = vector.load %arg1[%get3A, %get3A_0, %get3A_1] : memref<2x5000x128xf32, #tpu.memory_space<vmem>>, vector<1x5000x128xf32>
    %get3A_3 = vector.shape_cast %get3A_2 : vector<1x5000x128xf32> to vector<5000x128xf32>
    %get3A_4 = arith.constant 1 : index
    %get3A_5 = arith.constant 0 : index
    %get3A_6 = arith.constant 0 : index
    %get3A_7 = vector.load %arg1[%get3A_4, %get3A_5, %get3A_6] : memref<2x5000x128xf32, #tpu.memory_space<vmem>>, vector<1x5000x128xf32>
    %get3A_8 = vector.shape_cast %get3A_7 : vector<1x5000x128xf32> to vector<5000x128xf32>
    %add3A = arith.addf %get3A_3, %get3A_8 : vector<5000x128xf32>
    %get3A_9 = arith.constant 0 : index
    %get3A_10 = arith.constant 0 : index
    %get3A_11 = vector.load %arg2[%get3A_9, %get3A_10] : memref<5000x128xf32, #tpu.memory_space<vmem>>, vector<5000x128xf32>
    %get3A_12 = arith.constant 0 : index
    %get3A_13 = arith.constant 0 : index
    %get3A_14 = vector.load %arg3[%get3A_12, %get3A_13] : memref<128x128xf32, #tpu.memory_space<vmem>>, vector<128x128xf32>
    %dot_general3A = arith.constant dense<0.000000e+00> : vector<5000x128xf32>
    %dot_general3A_15 = tpu.matmul %get3A_11, %get3A_14, %dot_general3A {dimension_numbers = #tpu.dot_dimension_numbers<[1], [0], [0], [1], [0, 0, 1, 1], [], []>, transpose_lhs_hint = false} : vector<5000x128xf32>, vector<128x128xf32>, vector<5000x128xf32> -> vector<5000x128xf32>
    %add3A_16 = arith.addf %add3A, %dot_general3A_15 : vector<5000x128xf32>
    %get3A_17 = arith.constant 0 : index
    %get3A_18 = arith.constant 0 : index
    %get3A_19 = vector.load %arg4[%get3A_17, %get3A_18] : memref<1x128xf32, #tpu.memory_space<vmem>>, vector<1x128xf32>
    %add3A_20 = vector.broadcast %get3A_19 : vector<1x128xf32> to vector<5000x128xf32>
    %add3A_21 = arith.addf %add3A_16, %add3A_20 : vector<5000x128xf32>
    %swap3A = arith.constant 0 : index
    %swap3A_22 = arith.constant 0 : index
    %swap3A_23 = vector.load %arg5[%swap3A, %swap3A_22] : memref<5000x128xf32, #tpu.memory_space<vmem>>, vector<5000x128xf32>
    tpu.vector_store %arg5[%swap3A, %swap3A_22], %add3A_21 {strides = array<i32>} : memref<5000x128xf32, #tpu.memory_space<vmem>>, vector<5000x128xf32>,
    return
  }
  func.func @transform_0(%arg0: i32) -> (i32, i32, i32) {
    %c0_i32 = arith.constant 0 : i32
    %c0_i32_0 = arith.constant 0 : i32
    %c0_i32_1 = arith.constant 0 : i32
    return %c0_i32, %arg0, %c0_i32_0 : i32, i32, i32
  }
  func.func @transform_1(%arg0: i32) -> (i32, i32) {
    %c0_i32 = arith.constant 0 : i32
    %c0_i32_0 = arith.constant 0 : i32
    return %arg0, %c0_i32 : i32, i32
  }
  func.func @transform_2(%arg0: i32) -> (i32, i32) {
    %c0_i32 = arith.constant 0 : i32
    %c0_i32_0 = arith.constant 0 : i32
    %c0_i32_1 = arith.constant 0 : i32
    return %c0_i32, %c0_i32_0 : i32, i32
  }
  func.func @transform_3(%arg0: i32) -> (i32, i32) {
    %c0_i32 = arith.constant 0 : i32
    %c0_i32_0 = arith.constant 0 : i32
    %c0_i32_1 = arith.constant 0 : i32
    return %c0_i32, %c0_i32_0 : i32, i32
  }
  func.func @transform_4(%arg0: i32) -> (i32, i32) {
    %c0_i32 = arith.constant 0 : i32
    %c0_i32_0 = arith.constant 0 : i32
    return %arg0, %c0_i32 : i32, i32
  }
}

module attributes {stable_mosaic.version = 14 : i64} {
  func.func @_proj_body(%arg0: i32, %arg1: memref<5000x128xf32, #tpu.memory_space<vmem>>, %arg2: memref<5000x128xf32, #tpu.memory_space<vmem>>, %arg3: memref<2x2xf32, #tpu.memory_space<smem>>, %arg4: memref<2x128x128xf32, #tpu.memory_space<vmem>>, %arg5: memref<2x5000x128xf32, #tpu.memory_space<vmem>>) attributes {dimension_semantics = [#tpu.dimension_semantics<arbitrary>], iteration_bounds = array<i64: 2>, scalar_prefetch = 0 : i64, scratch_operands = 0 : i64, tpu.core_type = #tpu.core_type<tc>, window_params = [{transform_indices = @transform_0, window_bounds = array<i64: 5000, 128>}, {transform_indices = @transform_1, window_bounds = array<i64: 5000, 128>}, {transform_indices = @transform_2, window_bounds = array<i64: 2, 2>}, {pipeline_mode = #tpu.pipeline_mode<synchronous>, transform_indices = @transform_3, window_bounds = array<i64: 2, 128, 128>}, {transform_indices = @transform_4, window_bounds = array<i64: 2, 5000, 128>}]} {
    %get3A = arith.constant 0 : index
    %get3A_0 = arith.constant 0 : index
    %get3A_1 = arith.constant 0 : index
    %get3A_2 = vector.load %arg4[%get3A, %get3A_0, %get3A_1] : memref<2x128x128xf32, #tpu.memory_space<vmem>>, vector<1x128x128xf32>
    %get3A_3 = vector.shape_cast %get3A_2 : vector<1x128x128xf32> to vector<128x128xf32>
    %get3A_4 = arith.constant 1 : index
    %get3A_5 = arith.constant 0 : index
    %get3A_6 = arith.constant 0 : index
    %get3A_7 = vector.load %arg4[%get3A_4, %get3A_5, %get3A_6] : memref<2x128x128xf32, #tpu.memory_space<vmem>>, vector<1x128x128xf32>
    %get3A_8 = vector.shape_cast %get3A_7 : vector<1x128x128xf32> to vector<128x128xf32>
    %get3A_9 = arith.constant 0 : index
    %get3A_10 = arith.constant 0 : index
    %get3A_11 = memref.load %arg3[%get3A_9, %get3A_10] : memref<2x2xf32, #tpu.memory_space<smem>>
    %mul3A = vector.broadcast %get3A_11 : f32 to vector<128x128xf32>
    %mul3A_12 = arith.mulf %mul3A, %get3A_3 : vector<128x128xf32>
    %get3A_13 = arith.constant 0 : index
    %get3A_14 = arith.constant 1 : index
    %get3A_15 = memref.load %arg3[%get3A_13, %get3A_14] : memref<2x2xf32, #tpu.memory_space<smem>>
    %mul3A_16 = vector.broadcast %get3A_15 : f32 to vector<128x128xf32>
    %mul3A_17 = arith.mulf %mul3A_16, %get3A_8 : vector<128x128xf32>
    %add3A = arith.addf %mul3A_12, %mul3A_17 : vector<128x128xf32>
    %get3A_18 = arith.constant 1 : index
    %get3A_19 = arith.constant 0 : index
    %get3A_20 = memref.load %arg3[%get3A_18, %get3A_19] : memref<2x2xf32, #tpu.memory_space<smem>>
    %mul3A_21 = vector.broadcast %get3A_20 : f32 to vector<128x128xf32>
    %mul3A_22 = arith.mulf %mul3A_21, %get3A_3 : vector<128x128xf32>
    %get3A_23 = arith.constant 1 : index
    %get3A_24 = arith.constant 1 : index
    %get3A_25 = memref.load %arg3[%get3A_23, %get3A_24] : memref<2x2xf32, #tpu.memory_space<smem>>
    %mul3A_26 = vector.broadcast %get3A_25 : f32 to vector<128x128xf32>
    %mul3A_27 = arith.mulf %mul3A_26, %get3A_8 : vector<128x128xf32>
    %add3A_28 = arith.addf %mul3A_22, %mul3A_27 : vector<128x128xf32>
    %get3A_29 = arith.constant 0 : index
    %get3A_30 = arith.constant 0 : index
    %get3A_31 = vector.load %arg1[%get3A_29, %get3A_30] : memref<5000x128xf32, #tpu.memory_space<vmem>>, vector<5000x128xf32>
    %dot_general3A = arith.constant dense<0.000000e+00> : vector<5000x128xf32>
    %dot_general3A_32 = tpu.matmul %get3A_31, %add3A, %dot_general3A {dimension_numbers = #tpu.dot_dimension_numbers<[1], [0], [0], [1], [0, 0, 1, 1], [], []>, transpose_lhs_hint = false} : vector<5000x128xf32>, vector<128x128xf32>, vector<5000x128xf32> -> vector<5000x128xf32>
    %swap3A = arith.constant 0 : index
    %swap3A_33 = arith.constant 0 : index
    %swap3A_34 = arith.constant 0 : index
    %swap3A_35 = vector.load %arg5[%swap3A, %swap3A_33, %swap3A_34] : memref<2x5000x128xf32, #tpu.memory_space<vmem>>, vector<1x5000x128xf32>
    %swap3A_36 = vector.shape_cast %swap3A_35 : vector<1x5000x128xf32> to vector<5000x128xf32>
    %swap3A_37 = vector.shape_cast %dot_general3A_32 : vector<5000x128xf32> to vector<1x5000x128xf32>
    tpu.vector_store %arg5[%swap3A, %swap3A_33, %swap3A_34], %swap3A_37 {strides = array<i32>} : memref<2x5000x128xf32, #tpu.memory_space<vmem>>, vector<1x5000x128xf32>,
    %get3A_38 = arith.constant 0 : index
    %get3A_39 = arith.constant 0 : index
    %get3A_40 = vector.load %arg2[%get3A_38, %get3A_39] : memref<5000x128xf32, #tpu.memory_space<vmem>>, vector<5000x128xf32>
    %dot_general3A_41 = arith.constant dense<0.000000e+00> : vector<5000x128xf32>
    %dot_general3A_42 = tpu.matmul %get3A_40, %add3A_28, %dot_general3A_41 {dimension_numbers = #tpu.dot_dimension_numbers<[1], [0], [0], [1], [0, 0, 1, 1], [], []>, transpose_lhs_hint = false} : vector<5000x128xf32>, vector<128x128xf32>, vector<5000x128xf32> -> vector<5000x128xf32>
    %swap3A_43 = arith.constant 1 : index
    %swap3A_44 = arith.constant 0 : index
    %swap3A_45 = arith.constant 0 : index
    %swap3A_46 = vector.load %arg5[%swap3A_43, %swap3A_44, %swap3A_45] : memref<2x5000x128xf32, #tpu.memory_space<vmem>>, vector<1x5000x128xf32>
    %swap3A_47 = vector.shape_cast %swap3A_46 : vector<1x5000x128xf32> to vector<5000x128xf32>
    %swap3A_48 = vector.shape_cast %dot_general3A_42 : vector<5000x128xf32> to vector<1x5000x128xf32>
    tpu.vector_store %arg5[%swap3A_43, %swap3A_44, %swap3A_45], %swap3A_48 {strides = array<i32>} : memref<2x5000x128xf32, #tpu.memory_space<vmem>>, vector<1x5000x128xf32>,
    return
  }
  func.func @transform_0(%arg0: i32) -> (i32, i32) {
    %c0_i32 = arith.constant 0 : i32
    %c0_i32_0 = arith.constant 0 : i32
    return %arg0, %c0_i32 : i32, i32
  }
  func.func @transform_1(%arg0: i32) -> (i32, i32) {
    %c0_i32 = arith.constant 0 : i32
    %c0_i32_0 = arith.constant 0 : i32
    return %arg0, %c0_i32 : i32, i32
  }
  func.func @transform_2(%arg0: i32) -> (i32, i32) {
    %c0_i32 = arith.constant 0 : i32
    %c0_i32_0 = arith.constant 0 : i32
    %c0_i32_1 = arith.constant 0 : i32
    return %c0_i32, %c0_i32_0 : i32, i32
  }
  func.func @transform_3(%arg0: i32) -> (i32, i32, i32) {
    %c0_i32 = arith.constant 0 : i32
    %c0_i32_0 = arith.constant 0 : i32
    %c0_i32_1 = arith.constant 0 : i32
    %c0_i32_2 = arith.constant 0 : i32
    return %c0_i32, %c0_i32_0, %c0_i32_1 : i32, i32, i32
  }
  func.func @transform_4(%arg0: i32) -> (i32, i32, i32) {
    %c0_i32 = arith.constant 0 : i32
    %c0_i32_0 = arith.constant 0 : i32
    %c0_i32_1 = arith.constant 0 : i32
    return %c0_i32, %arg0, %c0_i32_0 : i32, i32, i32
  }
}

</mosaic_0001>

<sc_bundles>
// kernel: kernel.5.cloned.1.call-start
scs
__scs_entry_jumppad:
0x0: {  	(pc) =	sbr.rel $0x88, $3  }
0x1: {  	(tag) =	ssettag $0x0;
	lr =	simm.s32 $0x1  }
0x2: {  	[smem:$0x3F96] =	sst lr;
	_ =	strace $0xD0000000  }
0x3: {  	_ = 	snop  }
0x4: {  	_ = 	snop  }
0x5: {  	_ = 	snop  }
0x6: {  	_ = 	snop  }
0x7: {  	_ = 	snop  }
__scs_overlays_trampoline_lowered:
0x8: {  	[smem:$0x3FA5] =	sst s0  }
0x9: {  	[smem:$0x3FA6] =	sst s1  }
0xa: {  	[smem:$0x3FA7] =	sst s2  }
0xb: {  	[smem:$0x3FA8] =	sst s3  }
0xc: {  	[smem:$0x3FA9] =	sst s4  }
0xd: {  	[smem:$0x3FAA] =	sst s5  }
0xe: {  	[smem:$0x3FAB] =	sst s6  }
0xf: {  	[smem:$0x3FAC] =	sst s7  }
0x10: {  	[smem:$0x3FAD] =	sst s8  }
0x11: {  	[smem:$0x3FAE] =	sst s9;
	s0 =	simm.s32 @!p0 $0x0  }
0x12: {  	s1 =	sld [smem:$0x3F94];
	s0 =	simm.s32 @p0 $0x1  }
0x13: {  	[smem:$0x3FAF] =	sst s0;
	s0 =	simm.s32 @!p1 $0x0  }
0x14: {  	s2 =	sld [smem:$0x3F93];
	s0 =	simm.s32 @p1 $0x1  }
0x15: {  	[smem:$0x3FB0] =	sst s0;
	s0 =	simm.s32 @!p2 $0x0  }
0x16: {  	s3 =	sld [smem:$0x3FDB];
	s0 =	simm.s32 @p2 $0x1  }
0x17: {  	s4 =	simm.s32 $0x1BF5;
	[smem:$0x3FB2] =	sst s0  }
0x18: {  	s0 =	sld [smem:$0x3F95];
	_ =	swait.ge [sflag:s4], $0x0  }
0x19: {  	s7 =	sld [smem:$0x3F96]  }
0x1a: {  	s8 =	sadd.s32 $0xFFFFE003, lr  }
0x1b: {  	s9 =	sadd.s32 $0xFFFFFEF7, lr;
	s5 =	simm.s32 $0xFFFFFFFF;
	p2 =	slt.u32 s8, $0xFFFFF086  }
0x1c: {  	p1 =	slt.u32 s9, $0xF7A;
	s5 =	simm.s32 @!p2 $0x0  }
0x1d: {  	s5 =	simm.s32 @p1 $0x1;
	p0 =	seq.s32 s7, s2  }
0x1e: {  	s7 =	smul.u32 @!p0 $0xF7A, s2;
	p2 =	seq.s32 @!p0 s5, $0x0  }
0x1f: {  	s9 =	smul.u32 $0xF7A, s1;
	s8 =	simm.s32 @!p0 $0x1BF5;
	p2 =	por !p2, p0  }
0x20: {  	[sflag:s8] =	ssyncset.s32 @!p0 $0xFFFFF086;
	s6 =	sadd.s32 @!p0 s3, s7;
	s7 =	simm.s32 @!p0 $0x108  }
0x21: {  	s3 =	sadd.s32 s3, s9;
	s6 =	sadd.s32 @!p0 $0x88, s6;
	s7 =	simm.s32 @p2 $0x1082  }
0x22: {  	[simem:s7], [sflag:s8] =	dma.local @!p0 [hbm:s6], $0xF7A  }
0x23: {  	s9 =	sor.u32 $0xD0000000, s2;
	s6 =	simm.s32 $0x108;
	_ =	swait.ge @!p0 [sflag:s8], $0x0  }
0x24: {  	s3 =	sadd.s32 $0x88, s3;
	s6 =	simm.s32 @!p1 $0x1082;
	[sflag:s4] =	ssyncset.s32 $0xFFFFF086  }
0x25: {  	[simem:s6], [sflag:s4] =	dma.local [hbm:s3], $0xF7A  }
0x26: {  	[smem:$0x3F96] =	sst s1;
	(tag) =	ssettag s2;
	_ =	strace s9  }
0x27: {  	s1 =	sld [smem:$0x3FA6]  }
0x28: {  	s2 =	sld [smem:$0x3FA7]  }
0x29: {  	s4 =	sld [smem:$0x3FA9]  }
0x2a: {  	p0 =	seq.s32 s5, $0x0;
	s5 =	sld [smem:$0x3FAA]  }
0x2b: {  	s6 =	sld [smem:$0x3FAB]  }
0x2c: {  	s7 =	sld [smem:$0x3FAC]  }
0x2d: {  	s3 =	simm.s32 $0x108;
	s8 =	sld [smem:$0x3FAD]  }
0x2e: {  	s3 =	simm.s32 @!p0 $0x1082;
	s9 =	sld [smem:$0x3FAE]  }
0x2f: {  	lr =	sadd.s32 s0, s3;
	s0 =	sld [smem:$0x3FA5]  }
0x30: {  	s3 =	sld [smem:$0x3FA8]  }
0x31: {  	[smem:$0x3FB1] =	sst s10  }
0x32: {  	s10 =	sld [smem:$0x3FAF];
	_ =	sdelay $0x3  }
0x33: {  	p0 =	seq.s32 s10, $0x1;
	s10 =	sld [smem:$0x3FB1];
	_ =	sdelay $0x3  }
0x34: {  	[smem:$0x3FB1] =	sst s10  }
0x35: {  	s10 =	sld [smem:$0x3FB0];
	_ =	sdelay $0x3  }
0x36: {  	p1 =	seq.s32 s10, $0x1;
	s10 =	sld [smem:$0x3FB1];
	_ =	sdelay $0x3  }
0x37: {  	[smem:$0x3FB1] =	sst s10  }
0x38: {  	s10 =	sld [smem:$0x3FB2]  }
0x39: {  	_ = 	snop;
	(pc) =	sbr.ind lr, $3  }
0x3a: {  	_ = 	snop  }
0x3b: {  	_ = 	snop  }
0x3c: {  	p2 =	seq.s32 s10, $0x1;
	s10 =	sld [smem:$0x3FB1]  }
0x3d: {  	_ =	shalt  }
0x3e: {  	_ =	shalt  }
0x3f: {  	_ =	shalt  }
0x40: {  	_ =	shalt  }
0x41: {  	_ =	shalt  }
0x42: {  	_ =	shalt  }
0x43: {  	_ =	shalt  }
0x44: {  	_ =	shalt  }
0x45: {  	_ =	shalt  }
0x46: {  	_ =	shalt  }
0x47: {  	_ =	shalt  }
0x48: {  	_ =	shalt  }
0x49: {  	_ =	shalt  }
0x4a: {  	_ =	shalt  }
0x4b: {  	_ =	shalt  }
0x4c: {  	_ =	shalt  }
0x4d: {  	_ =	shalt  }
0x4e: {  	_ =	shalt  }
0x4f: {  	_ =	shalt  }
0x50: {  	_ =	shalt  }
0x51: {  	_ =	shalt  }
0x52: {  	_ =	shalt  }
0x53: {  	_ =	shalt  }
0x54: {  	_ =	shalt  }
0x55: {  	_ =	shalt  }
0x56: {  	_ =	shalt  }
0x57: {  	_ =	shalt  }
0x58: {  	_ =	shalt  }
0x59: {  	_ =	shalt  }
0x5a: {  	_ =	shalt  }
0x5b: {  	_ =	shalt  }
0x5c: {  	_ =	shalt  }
0x5d: {  	_ =	shalt  }
0x5e: {  	_ =	shalt  }
0x5f: {  	_ =	shalt  }
0x60: {  	_ =	shalt  }
0x61: {  	_ =	shalt  }
0x62: {  	_ =	shalt  }
0x63: {  	_ =	shalt  }
0x64: {  	_ =	shalt  }
0x65: {  	_ =	shalt  }
0x66: {  	_ =	shalt  }
0x67: {  	_ =	shalt  }
0x68: {  	_ =	shalt  }
0x69: {  	_ =	shalt  }
0x6a: {  	_ =	shalt  }
0x6b: {  	_ =	shalt  }
0x6c: {  	_ =	shalt  }
0x6d: {  	_ =	shalt  }
0x6e: {  	_ =	shalt  }
0x6f: {  	_ =	shalt  }
0x70: {  	_ =	shalt  }
0x71: {  	_ =	shalt  }
0x72: {  	_ =	shalt  }
0x73: {  	_ =	shalt  }
0x74: {  	_ =	shalt  }
0x75: {  	_ =	shalt  }
0x76: {  	_ =	shalt  }
0x77: {  	_ =	shalt  }
0x78: {  	_ =	shalt  }
0x79: {  	_ =	shalt  }
0x7a: {  	_ =	shalt  }
0x7b: {  	_ =	shalt  }
0x7c: {  	_ =	shalt  }
0x7d: {  	_ =	shalt  }
0x7e: {  	_ =	shalt  }
0x7f: {  	_ =	shalt  }
0x80: {  	_ =	shalt  }
0x81: {  	_ =	shalt  }
0x82: {  	_ =	shalt  }
0x83: {  	_ =	shalt  }
0x84: {  	_ =	shalt  }
0x85: {  	_ =	shalt  }
0x86: {  	_ =	shalt  }
0x87: {  	_ =	shalt  }
.Lfunc_end0:
.L_simem_size_0:
called_computation_lowered:
.L_overlay_start_0:
0x88: {  	s2 =	sld [smem:$0x3FD9]  }
0x89: {  	s3 =	sld [smem:$0x3FFE];
	_ =	sdelay $0x1  }
0x8a: {  	s1 =	srdreg.scid  }
0x8b: {  	s0 =	sand.u32 $0x1, s1  }
0x8c: {  	s14 =	sshll.u32 s0, $0xA;
	s2 =	sadd.s32 s3, s2  }
0x8d: {  	s2 =	sadd.s32 s2, s14  }
0x8e: {  	[smem:$0x3FBD] =	sst s2  }
0x8f: {  	_ = 	snop  }
0x90: {  	s2 =	sld [smem:$0x3FD0];
	_ =	sdelay $0x2  }
0x91: {  	s15 =	simm.s32 $0xA;
	s4 =	simm.s32 $0x10  }
0x92: {  	[smem:s4], [sflag:s15] =	dma.local [hbm:s2], $0x1  }
0x93: {  	_ =	swait.eq [sflag:s15], $0x1  }
0x94: {  	[sflag:s15] =	ssyncset.done $0x0  }
0x95: {  	[sflag:s15] =	ssyncadd.s32 $0xFFFFFFFF  }
0x96: {  	s16 =	sld [smem:$0x10];
	(tm) =	ssettm $0x1  }
0x97: {  	s17 =	sld [smem:$0x3FFB];
	_ =	sdelay $0x3  }
0x98: {  	_ =	strace s17  }
0x99: {  	s3 =	sld [smem:$0x3FFC];
	_ =	sdelay $0x3  }
0x9a: {  	_ =	strace s3  }
0x9b: {  	s3 =	sld [smem:$0x3FFD];
	_ =	sdelay $0x3  }
0x9c: {  	_ =	strace s3  }
0x9d: {  	_ =	strace $0x8FFFFFFF  }
0x9e: {  	s18 =	sld [smem:$0x3FDB];
	_ =	sdelay $0x1  }
0x9f: {  	s19 =	simm.s32 $_scs_section_size  }
0xa0: {  	s5 =	simm.s32 $_size__tile_overlayer_lowered;
	s6 =	simm.s32 $_tile_overlayer_lowered  }
0xa1: {  	s22 =	simm.s32 $0x1BFF;
	s21 =	sshll.u32 s6, $0x1;
	s3 =	sadd.s32 s19, s18  }
0xa2: {  	s7 =	simm.s32 $0x0;
	s20 =	sshll.u32 s5, $0x1;
	s5 =	sadd.s32 s21, s3  }
0xa3: {  	[timem:s7], [sflag:s22] =	dma.local [hbm:s5], s20  }
0xa4: {  	_ =	swait.ge [sflag:s22], s20  }
0xa5: {  	s4 =	ssub.s32 $0x0, s20;
	[sflag:s22] =	ssyncset.done $0x0  }
0xa6: {  	[sflag:s22] =	ssyncadd.s32 s4;
	_ =	sdelay $0x1  }
0xa7: {  	s23 =	simm.s32 $0x1B8B  }
0xa8: {  	_ =	swait.ge [sflag:s23], $0x1  }
0xa9: {  	[sflag:s23] =	ssyncset.done $0x0  }
0xaa: {  	s25 =	simm.s32 $0x1B8E;
	s24 =	sld [smem:$0x3FFE];
	[sflag:s23] =	ssyncadd.s32 $0xFFFFFFFF  }
0xab: {  	s26 =	simm.s32 $execute0_lowered;
	[smem:$0x3FD2] =	sst s25  }
0xac: {  	s5 =	sshll.u32 s26, $0x1;
	_ =	strace $0x80000046;
	[dreg:$0x1] =	wrdreg $0xFFFFFFFF  }
0xad: {  	s28 =	simm.s32 $_size_execute0_lowered;
	s3 =	sadd.s32 s3, s5;
	[dreg:$0x0] =	wrdreg $0x0  }
0xae: {  	s5 =	sshll.u32 s28, $0x1;
	[dreg:$0x2] =	wrdreg s3  }
0xaf: {  	[dreg:$0x3] =	wrdreg s5  }
0xb0: {  	[dreg:$0x4] =	wrdreg $0xC0  }
0xb1: {  	_ =	task [dreg:s7], $0x5FFFF  }
0xb2: {  	[dreg:$0x1] =	wrdreg $0xFFFFFFFF  }
0xb3: {  	[dreg:$0x0] =	wrdreg $0x60  }
0xb4: {  	[dreg:$0x2] =	wrdreg s24  }
0xb5: {  	[dreg:$0x3] =	wrdreg s16  }
0xb6: {  	[dreg:$0x4] =	wrdreg $0x0  }
0xb7: {  	[dreg:$0x5] =	wrdreg $0x9  }
0xb8: {  	_ =	task.clear_ibuf [dreg:s7], $0x6FFFF;
	_ =	strace $0x90000046  }
0xb9: {  	s29 =	simm.s32 $0x9;
	_ =	strace $0x80000048  }
0xba: {  	_ =	swait.ge [sflag:s29], $0x1  }
0xbb: {  	[sflag:s29] =	ssyncadd.s32 $0xFFFFFFFF  }
0xbc: {  	_ =	strace $0x90000048  }
0xbd: {  	_ =	sfence  }
0xbe: {  	s30 =	sld [smem:$0x0];
	_ =	sdelay $0x2  }
0xbf: {  	s31 =	sshll.u32 s1, $0xD;
	s1 =	sshrl.u32 s1, $0x2  }
0xc0: {  	s3 =	sand.u32 $0x4000, s31;
	s1 =	sadd.s32 s1, s30  }
0xc1: {  	s0 =	sor.u32 s3, s0;
	s1 =	sshll.u32 s1, $0x11  }
0xc2: {  	s0 =	sor.u32 s1, s0  }
0xc3: {  	s0 =	sadd.s32 $0x8F2B, s0  }
0xc4: {  	[sflag:s0] =	ssyncadd.remote.s32 $0x1  }
0xc5: {  	_ =	sfence.sel $0xFFFF  }
0xc6: {  	[dreg:$0x0] =	wrdreg $0xFFFFFFFF;
	(pc) =	sbr.abs _section_cstart, $3  }
0xc7: {  	[dreg:$0x1] =	wrdreg $0xFFFFFFFF  }
0xc8: {  	_ =	task.clear_ibuf [dreg:s7], $0x2FFFF;
	_ =	strace $0x9FFFFFFF  }
0xc9: {  	(tm) =	ssettm $0x7FFFFFFF  }
tec
execute0_lowered:
.L_overlay_start_1:
0x0: {  	(tag) =	ssettag $0x1  }
0x1: {  	s5 =	rddreg [dreg:$0x0]  }
0x2: {  	s12 =	rddreg [dreg:$0x1]  }
0x3: {  	s2 =	rddreg [dreg:$0x2]  }
0x4: {  	s4 =	srdreg.scid;
	s1 =	stileid.u32;
	s3 =	simm.s32 $0x0  }
0x5: {  	s18 =	simm.s32 $0x13C00;
	s19 =	simm.s32 $0x15000;
	s20 =	simm.s32 $0x80  }
0x6: {  	s21 =	simm.s32 $0x1A400;
	s22 =	simm.s32 $0x1;
	s23 =	simm.s32 $0x2  }
0x7: {  	s24 =	simm.s32 $0x14F80;
	s25 =	simm.s32 $0x16300;
	s6 =	sand.u32 $0x1, s4  }
0x8: {  	s7 =	smul.u32 $0x2780, s1;
	[smem:$0x7FF] =	sst s3;
	s4 =	sadd.s32 $0x2400, s5  }
0x9: {  	s13 =	sadd.s32 $0x50600, s5;
	s26 =	smul.u32 $0x4F000, s1;
	s29 =	sshll.u32 s1, $0x1  }
0xa: {  	s8 =	smul.u32 $0x27800, s6;
	s28 =	ssub.s32 $0x2, s6;
	s10 =	sor.u32 s6, s29  }
0xb: {  	_ =	strace $0x80000047;
	s9 =	sshrl.u32 s28, $0x1;
	s11 =	smul.u32 $0x2800, s10  }
0xc: {  	s30 =	sshrl.u32 s26, $0x2;
	s16 =	smul.u32 $0x500, s10;
	s7 =	sadd.s32 s7, s8  }
0xd: {  	s26 =	simm.s32 $0x16380;
	s15 =	ssub.s32 s28, s9;
	s14 =	sadd.s32 s7, s5  }
0xe: {  	s5 =	sadd.s32 s30, s2;
	s17 =	sshrl.u32 s11, $0x3;
	s10 =	sadd.s32 s12, s16  }
0xf: {  	s11 =	sadd.s32 s13, s16;
	s15 =	smax.u32 s15, $0x1;
	s16 =	simm.s32 $0x16400  }
0x10: {  	s6 =	sadd.s32 $0x4000, s5;
	s7 =	sadd.s32 $0x8000, s5;
	s8 =	sadd.s32 $0xC000, s5  }
0x11: {  	s9 =	sadd.s32 $0x10000, s5;
	s31 =	sadd.s32 $0x280, s17;
	s14 =	sadd.s32 $0x5A600, s14  }
0x12: {  	v0 =	vimm.f32 $0.0e+00;
	s17 =	simm.s32 $0x3;
	s12 =	sadd.s32 s12, s31;
	s13 =	sadd.s32 s13, s31  }
.LBB2_1:
0x13: {  	s28 =	simm.s32 $0x0;
	s29 =	simm.s32 $0x200  }
.LBB2_2:
0x14: {  	p0 =	sne.s32 s29, $0xFE00;
	[tilespmem:s28+$0x16470] =	vst v0  }
0x15: {  	[tilespmem:s28+$0x16400] =	vst v0  }
0x16: {  	[tilespmem:s28+$0x16410] =	vst v0  }
.Ltmp0:
0x17: {  	[tilespmem:s28+$0x16420] =	vst v0;
	(pc) =	sbr.rel @p0 .LBB2_2-.Ltmp0, $4  }
0x18: {  	[tilespmem:s28+$0x16430] =	vst v0  }
0x19: {  	[tilespmem:s28+$0x16440] =	vst v0  }
0x1a: {  	[tilespmem:s28+$0x16450] =	vst v0  }
0x1b: {  	[tilespmem:s28+$0x16460] =	vst v0;
	s28 =	sshra.s32 s29, $0x2;
	s29 =	sadd.s32 $0x200, s29  }
0x1c: {  	[tilespmem:s28+$0x16470] =	vst v0  }
0x1d: {  	[tilespmem:s28+$0x16400] =	vst v0  }
0x1e: {  	[tilespmem:s28+$0x16410] =	vst v0  }
0x1f: {  	[tilespmem:s28+$0x16420] =	vst v0  }
0x20: {  	[tilespmem:s28+$0x16430] =	vst v0  }
0x21: {  	[tilespmem:s28+$0x16440] =	vst v0  }
0x22: {  	[tilespmem:s28+$0x16450] =	vst v0  }
0x23: {  	[tilespmem:s28+$0x16460] =	vst v0  }
0x24: {  	[spmem:s5] =	stream.linear.scatter [tilespmem:s16], [sflag:$0x3], $0x4000, $0x38;
	[tilespmem:$0x1E400] =	vst v63  }
0x25: {  	_ =	swait.ge [sflag:s17], $0x4000  }
0x26: {  	[sflag:s17] =	ssyncset.done $0x0  }
0x27: {  	[sflag:s17] =	ssyncadd.s32 $0xFFFFC000  }
0x28: {  	[spmem:s6] =	stream.linear.scatter [tilespmem:s16], [sflag:$0x3], $0x4000, $0x38;
	[tilespmem:$0x1E400] =	vst v63  }
0x29: {  	_ =	swait.ge [sflag:s17], $0x4000  }
0x2a: {  	[sflag:s17] =	ssyncset.done $0x0  }
0x2b: {  	[sflag:s17] =	ssyncadd.s32 $0xFFFFC000  }
0x2c: {  	[spmem:s7] =	stream.linear.scatter [tilespmem:s16], [sflag:$0x3], $0x4000, $0x38;
	[tilespmem:$0x1E400] =	vst v63  }
0x2d: {  	_ =	swait.ge [sflag:s17], $0x4000  }
0x2e: {  	[sflag:s17] =	ssyncset.done $0x0  }
0x2f: {  	[sflag:s17] =	ssyncadd.s32 $0xFFFFC000  }
0x30: {  	[spmem:s8] =	stream.linear.scatter [tilespmem:s16], [sflag:$0x3], $0x4000, $0x38;
	[tilespmem:$0x1E400] =	vst v63  }
0x31: {  	_ =	swait.ge [sflag:s17], $0x4000  }
0x32: {  	[sflag:s17] =	ssyncset.done $0x0  }
0x33: {  	[sflag:s17] =	ssyncadd.s32 $0xFFFFC000  }
0x34: {  	[spmem:s9] =	stream.linear.scatter [tilespmem:s16], [sflag:$0x3], $0x3C00, $0x38;
	[tilespmem:$0x1E400] =	vst v63  }
0x35: {  	_ =	swait.ge [sflag:s17], $0x3C00  }
0x36: {  	[sflag:s17] =	ssyncset.done $0x0  }
0x37: {  	s28 =	simm.s32 $0x0;
	[sflag:s17] =	ssyncadd.s32 $0xFFFFC400  }
0x38: {  	[tilespmem:s18], [sflag:$0x3] =	stream.linear.gather [hbm4b:s10+s28], $0x1400, $0x38;
	[tilespmem:$0x1E400] =	vst v63  }
0x39: {  	_ =	swait.ge [sflag:s17], $0x1400  }
0x3a: {  	[sflag:s17] =	ssyncset.done $0x0  }
0x3b: {  	[sflag:s17] =	ssyncadd.s32 $0xFFFFEC00  }
0x3c: {  	[tilespmem:s19], [sflag:$0x3] =	stream.linear.gather [hbm4b:s11+s28], $0x1400, $0x38;
	[tilespmem:$0x1E400] =	vst v63  }
0x3d: {  	_ =	swait.ge [sflag:s17], $0x1400  }
0x3e: {  	[sflag:s17] =	ssyncset.done $0x0  }
0x3f: {  	[sflag:s17] =	ssyncadd.s32 $0xFFFFEC00  }
0x40: {  	[bflag:$0x0] =	sbarrier.arrive $0xFFFF  }
0x41: {  	[tilespmem:s16], [sflag:$0x1] =	stream.indirect.gather [hbm4b:s4+s20], $0x80, s18, s20, $0xb8;
	[tilespmem:$0x1E400] =	vst v63  }
0x42: {  	s28 =	simm.s32 $0x13C80  }
0x43: {  	[tilespmem:s21], [sflag:$0x2] =	stream.indirect.gather [hbm4b:s4+s20], $0x80, s28, s20, $0xb8;
	[tilespmem:$0x1E400] =	vst v63  }
0x44: {  	_ =	swait.ge [sflag:s22], $0x4000  }
0x45: {  	[sflag:s22] =	ssyncset.done $0x0  }
0x46: {  	s28 =	simm.s32 $0x15000;
	[sflag:s22] =	ssyncadd.s32 $0xFFFFC000  }
0x47: {  	[spmem:s2] =	stream.indirect.scatter.add.f32 [tilespmem:s16], [sflag:$0x3], $0x80, s28, s20, $0xb8;
	[tilespmem:$0x1E400] =	vst v63  }
0x48: {  	_ =	swait.ge [sflag:s17], $0x4000  }
0x49: {  	[sflag:s17] =	ssyncset.done $0x0  }
0x4a: {  	s28 =	simm.s32 $0x13D00;
	[sflag:s17] =	ssyncadd.s32 $0xFFFFC000  }
0x4b: {  	[tilespmem:s16], [sflag:$0x1] =	stream.indirect.gather [hbm4b:s4+s20], $0x80, s28, s20, $0xb8;
	[tilespmem:$0x1E400] =	vst v63  }
0x4c: {  	_ =	swait.ge [sflag:s23], $0x4000  }
0x4d: {  	[sflag:s23] =	ssyncset.done $0x0  }
0x4e: {  	s28 =	simm.s32 $0x15080;
	[sflag:s23] =	ssyncadd.s32 $0xFFFFC000  }
0x4f: {  	[spmem:s2] =	stream.indirect.scatter.add.f32 [tilespmem:s21], [sflag:$0x3], $0x80, s28, s20, $0xb8;
	[tilespmem:$0x1E400] =	vst v63  }
0x50: {  	_ =	swait.ge [sflag:s17], $0x4000  }
0x51: {  	s29 =	simm.s32 $0x800;
	s28 =	simm.s32 $0x100;
	[sflag:s17] =	ssyncset.done $0x0  }
.LBB2_4:
0x52: {  	s30 =	sadd.s32 $0x13C80, s28  }
0x53: {  	[sflag:s17] =	ssyncadd.s32 $0xFFFFC000;
	s31 =	smov.u32 s29;
	s0 =	sadd.s32 $0x400, s29  }
0x54: {  	[tilespmem:s21], [sflag:$0x2] =	stream.indirect.gather [hbm4b:s4+s20], $0x80, s30, s20, $0xb8;
	[tilespmem:$0x1E400] =	vst v63  }
0x55: {  	p0 =	sne.s32 s29, $0x4800;
	_ =	swait.ge [sflag:s22], $0x4000  }
0x56: {  	[sflag:s22] =	ssyncset.done $0x0  }
0x57: {  	s29 =	sadd.s32 $0x15000, s28;
	[sflag:s22] =	ssyncadd.s32 $0xFFFFC000  }
0x58: {  	[spmem:s2] =	stream.indirect.scatter.add.f32 [tilespmem:s16], [sflag:$0x3], $0x80, s29, s20, $0xb8;
	[tilespmem:$0x1E400] =	vst v63  }
0x59: {  	_ =	swait.ge [sflag:s17], $0x4000  }
0x5a: {  	[sflag:s17] =	ssyncset.done $0x0  }
0x5b: {  	s29 =	sadd.s32 $0x13D00, s28;
	[sflag:s17] =	ssyncadd.s32 $0xFFFFC000  }
0x5c: {  	[tilespmem:s16], [sflag:$0x1] =	stream.indirect.gather [hbm4b:s4+s20], $0x80, s29, s20, $0xb8;
	[tilespmem:$0x1E400] =	vst v63  }
0x5d: {  	_ =	swait.ge [sflag:s23], $0x4000  }
.Ltmp1:
0x5e: {  	[sflag:s23] =	ssyncset.done $0x0;
	(pc) =	sbr.rel @p0 .LBB2_4-.Ltmp1, $4  }
0x5f: {  	s28 =	sadd.s32 $0x15080, s28;
	[sflag:s23] =	ssyncadd.s32 $0xFFFFC000  }
0x60: {  	[spmem:s2] =	stream.indirect.scatter.add.f32 [tilespmem:s21], [sflag:$0x3], $0x80, s28, s20, $0xb8;
	[tilespmem:$0x1E400] =	vst v63  }
0x61: {  	_ =	swait.ge [sflag:s17], $0x4000  }
0x62: {  	s29 =	smov.u32 s0;
	s28 =	sshra.s32 s31, $0x2;
	[sflag:s17] =	ssyncset.done $0x0  }
0x63: {  	s0 =	sadd.s32 $0x13C80, s28;
	[sflag:s17] =	ssyncadd.s32 $0xFFFFC000  }
0x64: {  	[tilespmem:s21], [sflag:$0x2] =	stream.indirect.gather [hbm4b:s4+s20], $0x80, s0, s20, $0xb8;
	[tilespmem:$0x1E400] =	vst v63  }
0x65: {  	_ =	swait.ge [sflag:s22], $0x4000  }
0x66: {  	[sflag:s22] =	ssyncset.done $0x0  }
0x67: {  	s30 =	sadd.s32 $0x15000, s28;
	[sflag:s22] =	ssyncadd.s32 $0xFFFFC000  }
0x68: {  	[spmem:s2] =	stream.indirect.scatter.add.f32 [tilespmem:s16], [sflag:$0x3], $0x80, s30, s20, $0xb8;
	[tilespmem:$0x1E400] =	vst v63  }
0x69: {  	_ =	swait.ge [sflag:s17], $0x4000  }
0x6a: {  	[sflag:s17] =	ssyncset.done $0x0  }
0x6b: {  	s31 =	sadd.s32 $0x13D00, s28;
	[sflag:s17] =	ssyncadd.s32 $0xFFFFC000  }
0x6c: {  	[tilespmem:s16], [sflag:$0x1] =	stream.indirect.gather [hbm4b:s4+s20], $0x80, s31, s20, $0xb8;
	[tilespmem:$0x1E400] =	vst v63  }
0x6d: {  	_ =	swait.ge [sflag:s23], $0x4000  }
0x6e: {  	[sflag:s23] =	ssyncset.done $0x0  }
0x6f: {  	s30 =	sadd.s32 $0x15080, s28;
	[sflag:s23] =	ssyncadd.s32 $0xFFFFC000  }
0x70: {  	[spmem:s2] =	stream.indirect.scatter.add.f32 [tilespmem:s21], [sflag:$0x3], $0x80, s30, s20, $0xb8;
	[tilespmem:$0x1E400] =	vst v63  }
0x71: {  	_ =	swait.ge [sflag:s17], $0x4000  }
0x72: {  	[sflag:s17] =	ssyncset.done $0x0  }
0x73: {  	[sflag:s17] =	ssyncadd.s32 $0xFFFFC000  }
0x74: {  	[tilespmem:s21], [sflag:$0x2] =	stream.indirect.gather [hbm4b:s4+s20], $0x80, s24, s20, $0xb8;
	[tilespmem:$0x1E400] =	vst v63  }
0x75: {  	_ =	swait.ge [sflag:s22], $0x4000  }
0x76: {  	[sflag:s22] =	ssyncset.done $0x0  }
0x77: {  	[sflag:s22] =	ssyncadd.s32 $0xFFFFC000  }
0x78: {  	[spmem:s2] =	stream.indirect.scatter.add.f32 [tilespmem:s16], [sflag:$0x3], $0x80, s25, s20, $0xb8;
	[tilespmem:$0x1E400] =	vst v63  }
0x79: {  	_ =	swait.ge [sflag:s17], $0x4000  }
0x7a: {  	[sflag:s17] =	ssyncset.done $0x0  }
0x7b: {  	[sflag:s17] =	ssyncadd.s32 $0xFFFFC000  }
0x7c: {  	_ =	swait.ge [sflag:s23], $0x4000  }
0x7d: {  	[sflag:s23] =	ssyncset.done $0x0  }
0x7e: {  	[sflag:s23] =	ssyncadd.s32 $0xFFFFC000  }
0x7f: {  	[spmem:s2] =	stream.indirect.scatter.add.f32 [tilespmem:s21], [sflag:$0x3], $0x80, s26, s20, $0xb8;
	[tilespmem:$0x1E400] =	vst v63  }
0x80: {  	_ =	swait.ge [sflag:s17], $0x4000  }
0x81: {  	[sflag:s17] =	ssyncset.done $0x0  }
0x82: {  	s31 =	simm.s32 $0x0;
	[sflag:s17] =	ssyncadd.s32 $0xFFFFC000  }
0x83: {  	[tilespmem:s18], [sflag:$0x3] =	stream.linear.gather [hbm4b:s12+s31], $0x1400, $0x38;
	[tilespmem:$0x1E400] =	vst v63  }
0x84: {  	_ =	swait.ge [sflag:s17], $0x1400  }
0x85: {  	[sflag:s17] =	ssyncset.done $0x0  }
0x86: {  	[sflag:s17] =	ssyncadd.s32 $0xFFFFEC00  }
0x87: {  	[tilespmem:s19], [sflag:$0x3] =	stream.linear.gather [hbm4b:s13+s31], $0x1400, $0x38;
	[tilespmem:$0x1E400] =	vst v63  }
0x88: {  	_ =	swait.ge [sflag:s17], $0x1400  }
0x89: {  	[sflag:s17] =	ssyncset.done $0x0  }
0x8a: {  	[sflag:s17] =	ssyncadd.s32 $0xFFFFEC00  }
0x8b: {  	[tilespmem:s16], [sflag:$0x1] =	stream.indirect.gather [hbm4b:s4+s20], $0x80, s18, s20, $0xb8;
	[tilespmem:$0x1E400] =	vst v63  }
0x8c: {  	s30 =	simm.s32 $0x13C80  }
0x8d: {  	[tilespmem:s21], [sflag:$0x2] =	stream.indirect.gather [hbm4b:s4+s20], $0x80, s30, s20, $0xb8;
	[tilespmem:$0x1E400] =	vst v63  }
0x8e: {  	_ =	swait.ge [sflag:s22], $0x4000  }
0x8f: {  	[sflag:s22] =	ssyncset.done $0x0  }
0x90: {  	s31 =	simm.s32 $0x15000;
	[sflag:s22] =	ssyncadd.s32 $0xFFFFC000  }
0x91: {  	[spmem:s2] =	stream.indirect.scatter.add.f32 [tilespmem:s16], [sflag:$0x3], $0x80, s31, s20, $0xb8;
	[tilespmem:$0x1E400] =	vst v63  }
0x92: {  	_ =	swait.ge [sflag:s17], $0x4000  }
0x93: {  	[sflag:s17] =	ssyncset.done $0x0  }
0x94: {  	s30 =	simm.s32 $0x13D00;
	[sflag:s17] =	ssyncadd.s32 $0xFFFFC000  }
0x95: {  	[tilespmem:s16], [sflag:$0x1] =	stream.indirect.gather [hbm4b:s4+s20], $0x80, s30, s20, $0xb8;
	[tilespmem:$0x1E400] =	vst v63  }
0x96: {  	_ =	swait.ge [sflag:s23], $0x4000  }
0x97: {  	[sflag:s23] =	ssyncset.done $0x0  }
0x98: {  	s31 =	simm.s32 $0x15080;
	[sflag:s23] =	ssyncadd.s32 $0xFFFFC000  }
0x99: {  	[spmem:s2] =	stream.indirect.scatter.add.f32 [tilespmem:s21], [sflag:$0x3], $0x80, s31, s20, $0xb8;
	[tilespmem:$0x1E400] =	vst v63  }
0x9a: {  	_ =	swait.ge [sflag:s17], $0x4000  }
0x9b: {  	s29 =	simm.s32 $0x800;
	s28 =	simm.s32 $0x100;
	[sflag:s17] =	ssyncset.done $0x0  }
.LBB2_6:
0x9c: {  	s0 =	sadd.s32 $0x13C80, s28  }
0x9d: {  	[sflag:s17] =	ssyncadd.s32 $0xFFFFC000;
	s30 =	smov.u32 s29;
	s31 =	sadd.s32 $0x400, s29  }
0x9e: {  	[tilespmem:s21], [sflag:$0x2] =	stream.indirect.gather [hbm4b:s4+s20], $0x80, s0, s20, $0xb8;
	[tilespmem:$0x1E400] =	vst v63  }
0x9f: {  	p0 =	sne.s32 s29, $0x4800;
	_ =	swait.ge [sflag:s22], $0x4000  }
0xa0: {  	[sflag:s22] =	ssyncset.done $0x0  }
0xa1: {  	s0 =	sadd.s32 $0x15000, s28;
	[sflag:s22] =	ssyncadd.s32 $0xFFFFC000  }
0xa2: {  	[spmem:s2] =	stream.indirect.scatter.add.f32 [tilespmem:s16], [sflag:$0x3], $0x80, s0, s20, $0xb8;
	[tilespmem:$0x1E400] =	vst v63  }
0xa3: {  	_ =	swait.ge [sflag:s17], $0x4000  }
0xa4: {  	[sflag:s17] =	ssyncset.done $0x0  }
0xa5: {  	s0 =	sadd.s32 $0x13D00, s28;
	[sflag:s17] =	ssyncadd.s32 $0xFFFFC000  }
0xa6: {  	[tilespmem:s16], [sflag:$0x1] =	stream.indirect.gather [hbm4b:s4+s20], $0x80, s0, s20, $0xb8;
	[tilespmem:$0x1E400] =	vst v63  }
0xa7: {  	_ =	swait.ge [sflag:s23], $0x4000  }
.Ltmp2:
0xa8: {  	[sflag:s23] =	ssyncset.done $0x0;
	(pc) =	sbr.rel @p0 .LBB2_6-.Ltmp2, $4  }
0xa9: {  	s0 =	sadd.s32 $0x15080, s28;
	[sflag:s23] =	ssyncadd.s32 $0xFFFFC000  }
0xaa: {  	[spmem:s2] =	stream.indirect.scatter.add.f32 [tilespmem:s21], [sflag:$0x3], $0x80, s0, s20, $0xb8;
	[tilespmem:$0x1E400] =	vst v63  }
0xab: {  	_ =	swait.ge [sflag:s17], $0x4000  }
0xac: {  	s29 =	smov.u32 s31;
	s28 =	sshra.s32 s30, $0x2;
	[sflag:s17] =	ssyncset.done $0x0  }
0xad: {  	s0 =	sadd.s32 $0x13C80, s28;
	[sflag:s17] =	ssyncadd.s32 $0xFFFFC000  }
0xae: {  	[tilespmem:s21], [sflag:$0x2] =	stream.indirect.gather [hbm4b:s4+s20], $0x80, s0, s20, $0xb8;
	[tilespmem:$0x1E400] =	vst v63  }
0xaf: {  	_ =	swait.ge [sflag:s22], $0x4000  }
0xb0: {  	[sflag:s22] =	ssyncset.done $0x0  }
0xb1: {  	s30 =	sadd.s32 $0x15000, s28;
	[sflag:s22] =	ssyncadd.s32 $0xFFFFC000  }
0xb2: {  	[spmem:s2] =	stream.indirect.scatter.add.f32 [tilespmem:s16], [sflag:$0x3], $0x80, s30, s20, $0xb8;
	[tilespmem:$0x1E400] =	vst v63  }
0xb3: {  	_ =	swait.ge [sflag:s17], $0x4000  }
0xb4: {  	[sflag:s17] =	ssyncset.done $0x0  }
0xb5: {  	s31 =	sadd.s32 $0x13D00, s28;
	[sflag:s17] =	ssyncadd.s32 $0xFFFFC000  }
0xb6: {  	[tilespmem:s16], [sflag:$0x1] =	stream.indirect.gather [hbm4b:s4+s20], $0x80, s31, s20, $0xb8;
	[tilespmem:$0x1E400] =	vst v63  }
0xb7: {  	_ =	swait.ge [sflag:s23], $0x4000  }
0xb8: {  	[sflag:s23] =	ssyncset.done $0x0  }
0xb9: {  	s29 =	sadd.s32 $0x15080, s28;
	[sflag:s23] =	ssyncadd.s32 $0xFFFFC000  }
0xba: {  	[spmem:s2] =	stream.indirect.scatter.add.f32 [tilespmem:s21], [sflag:$0x3], $0x80, s29, s20, $0xb8;
	[tilespmem:$0x1E400] =	vst v63  }
0xbb: {  	_ =	swait.ge [sflag:s17], $0x4000  }
0xbc: {  	[sflag:s17] =	ssyncset.done $0x0  }
0xbd: {  	[sflag:s17] =	ssyncadd.s32 $0xFFFFC000  }
0xbe: {  	[tilespmem:s21], [sflag:$0x2] =	stream.indirect.gather [hbm4b:s4+s20], $0x80, s24, s20, $0xb8;
	[tilespmem:$0x1E400] =	vst v63  }
0xbf: {  	_ =	swait.ge [sflag:s22], $0x4000  }
0xc0: {  	[sflag:s22] =	ssyncset.done $0x0  }
0xc1: {  	[sflag:s22] =	ssyncadd.s32 $0xFFFFC000  }
0xc2: {  	[spmem:s2] =	stream.indirect.scatter.add.f32 [tilespmem:s16], [sflag:$0x3], $0x80, s25, s20, $0xb8;
	[tilespmem:$0x1E400] =	vst v63  }
0xc3: {  	_ =	swait.ge [sflag:s17], $0x4000  }
0xc4: {  	[sflag:s17] =	ssyncset.done $0x0  }
0xc5: {  	[sflag:s17] =	ssyncadd.s32 $0xFFFFC000  }
0xc6: {  	_ =	swait.ge [sflag:s23], $0x4000  }
0xc7: {  	[sflag:s23] =	ssyncset.done $0x0  }
0xc8: {  	[sflag:s23] =	ssyncadd.s32 $0xFFFFC000  }
0xc9: {  	[spmem:s2] =	stream.indirect.scatter.add.f32 [tilespmem:s21], [sflag:$0x3], $0x80, s26, s20, $0xb8;
	[tilespmem:$0x1E400] =	vst v63  }
0xca: {  	_ =	swait.ge [sflag:s17], $0x4000  }
0xcb: {  	s3 =	sadd.s32 $0x1, s3;
	s30 =	sshll.u32 s1, $0x6;
	[sflag:s17] =	ssyncset.done $0x0  }
0xcc: {  	p0 =	sne.s32 s3, s15;
	s0 =	sor.u32 $0x1C03, s30;
	[sflag:s17] =	ssyncadd.s32 $0xFFFFC000  }
.Ltmp3:
0xcd: {  	s31 =	sshrl.u32 s5, $0x3;
	[bflag:$0x0] =	sbarrier.arrive $0xFFFF;
	(pc) =	sbr.rel @p0 .LBB2_1-.Ltmp3, $4  }
0xce: {  	[hbm:s14], [sflag:s0] =	dma.local [spmem:s31], $0x2780  }
0xcf: {  	_ =	swait.ge [sflag:s17], $0x2780  }
0xd0: {  	[sflag:s17] =	ssyncset.done $0x0  }
0xd1: {  	[sflag:s17] =	ssyncadd.s32 $0xFFFFD880  }
0xd2: {  	_ =	sfence.sel $0x180000  }
0xd3: {  	[bflag:$0x0] =	sbarrier.arrive $0xFFFF  }
0xd4: {  	_ =	strace $0x90000047  }
0xd5: {  	[bflag:$0x2] =	sbarrier.arrive $0xFFFF  }
0xd6: {  	p0 =	sne.s32 s1, $0x0;
	s0 =	rddreg [dreg:$0x3]  }
0xd7: {  	s0 =	sadd.s32 @!p0 $0x100000, s0  }
0xd8: {  	[sflag:s0] =	ssyncadd.tile.s32 @!p0 $0x1;
	_ =	shalt  }
.Lfunc_end2:
_tile_overlayer_lowered:
.L_overlay_start_2:
0xd9: {  	(tag) =	ssettag $0x2  }
0xda: {  	s0 =	rddreg [dreg:$0x0];
	s2 =	stileid.u32  }
0xdb: {  	s1 =	rddreg [dreg:$0x1];
	p0 =	sne.s32 s2, $0x0  }
0xdc: {  	s3 =	rddreg [dreg:$0x2];
	[bflag:$0x3] =	sbarrier.arrive $0xFFFF;
	s2 =	simm.s32 @!p0 $0x1C03  }
0xdd: {  	[timem:s3], [sflag:s2] =	dma.local @!p0 [hbm:s0], s1  }
0xde: {  	s0 =	simm.s32 @!p0 $0x3  }
0xdf: {  	_ =	swait.ge @!p0 [sflag:s0], s1  }
0xe0: {  	s1 =	ssub.s32 @!p0 $0x0, s1;
	[sflag:s0] =	ssyncset.done @!p0 $0x0  }
0xe1: {  	[sflag:s0] =	ssyncadd.s32 @!p0 s1  }
0xe2: {  	[bflag:$0x3] =	sbarrier.arrive $0xFFFF  }
0xe3: {  	_ =	shalt  }

</sc_bundles>
